<compile_context>
chip_gen: v7x
topology: tpu7x:2x2x1
jax: 0.10.2.dev20260603
libtpu: 0.0.44.dev20260713+nightly
codegen_flags: <defaults>
</compile_context>

<pallas_src>
import functools

import jax
import jax.numpy as jnp
from jax import lax
from jax.experimental import pallas as pl
from jax.experimental.pallas import tpu as pltpu
from jax.experimental.pallas import tpu_sc as plsc

NUM_E = 1024
DIM = 64
BATCH_PER_BLOCK = 16


def _argmin_body(xt_ref, xsq_ref, embt_ref, esq_ref, idx_ref, acc_ref):
    i = pl.program_id(0)
    length = xt_ref.shape[2]
    code = lax.broadcasted_iota(
        jnp.int32, (NUM_E, length), 0).astype(jnp.float32)
    part = None
    for b in range(BATCH_PER_BLOCK):
        s = lax.dot_general(
            embt_ref[...], xt_ref[b], (((0,), (0,)), ((), ())),
            preferred_element_type=jnp.float32)
        d2 = (xsq_ref[pl.ds(b, 1), :] - 2.0 * s) + esq_ref[...]
        dc = jnp.maximum(d2, 0.0)
        dist = jnp.where(dc == 0.0, 0.0, dc * lax.rsqrt(dc))
        m = jnp.min(dist, axis=0, keepdims=True)
        idxf = jnp.min(
            jnp.where(dist == m, code, jnp.float32(NUM_E)), axis=0,
            keepdims=True)
        idx_ref[pl.ds(b, 1), :] = idxf.astype(jnp.int32)
        p = jnp.sum(m * m)
        part = p if part is None else part + p

    @pl.when(i == 0)
    def _init():
        acc_ref[...] = jnp.full_like(acc_ref, part)

    @pl.when(i > 0)
    def _accum():
        acc_ref[...] = acc_ref[...] + part


def _tc_argmin(xt, xsq, embt, esq):
    nb, _, length = xt.shape
    r = BATCH_PER_BLOCK
    grid = nb // r
    return pl.pallas_call(
        _argmin_body,
        grid=(grid,),
        in_specs=[
            pl.BlockSpec((r, DIM, length), lambda i: (i, 0, 0)),
            pl.BlockSpec((r, length), lambda i: (i, 0)),
            pl.BlockSpec((DIM, NUM_E), lambda i: (0, 0)),
            pl.BlockSpec((NUM_E, 1), lambda i: (0, 0)),
        ],
        out_specs=[
            pl.BlockSpec((r, length), lambda i: (i, 0)),
            pl.BlockSpec((8, 128), lambda i: (0, 0)),
        ],
        out_shape=[
            jax.ShapeDtypeStruct((nb, length), jnp.int32),
            jax.ShapeDtypeStruct((8, 128), jnp.float32),
        ],
    )(xt, xsq, embt, esq)


def _sc_gather(embedding, idx):
    n = idx.shape[0]
    info = plsc.get_sparse_core_info()
    nc, ns = info.num_cores, info.num_subcores
    nw = nc * ns
    per_w = n // nw
    ch = 96
    k_ch = per_w // ch
    mesh = plsc.VectorSubcoreMesh(core_axis_name="c", subcore_axis_name="s")

    @functools.partial(
        pl.kernel,
        out_type=jax.ShapeDtypeStruct((n, 2 * DIM), jnp.float32),
        mesh=mesh,
        compiler_params=pltpu.CompilerParams(use_tc_tiling_on_sc=False),
        scratch_types=(
            [pltpu.VMEM((per_w,), jnp.int32)]
            + [pltpu.VMEM((ch, DIM), jnp.float32) for _ in range(k_ch)]
            + [pltpu.SemaphoreType.DMA, pltpu.SemaphoreType.DMA]
        ),
    )
    def gather_k(table_hbm, idx_hbm, out_hbm, *scr):
        idx_all, row_bufs = scr[0], scr[1:1 + k_ch]
        sem, sem_out = scr[-2], scr[-1]
        wid = lax.axis_index("s") * nc + lax.axis_index("c")
        base = wid * per_w
        pltpu.sync_copy(idx_hbm.at[pl.ds(base, per_w)], idx_all)
        copies = [
            pltpu.async_copy(
                table_hbm.at[idx_all.at[pl.ds(c * ch, ch)]], row_bufs[c], sem)
            for c in range(k_ch)
        ]
        outs = []
        for c in range(k_ch):
            copies[c].wait()
            outs.append(pltpu.async_copy(
                row_bufs[c],
                out_hbm.at[pl.ds(base + c * ch, ch), pl.ds(0, DIM)], sem_out))
        for cp in outs:
            cp.wait()

    return gather_k(embedding, idx)


def kernel(x, embedding):
    b, l, d = x.shape
    xsq = jnp.sum(x ** 2, axis=2)
    esq = jnp.sum(embedding ** 2, axis=1)[:, None]
    xt = jnp.transpose(x, (0, 2, 1))
    embt = embedding.T
    idx, acc = _tc_argmin(xt, xsq, embt, esq)
    zq_pad = _sc_gather(embedding, idx.reshape(b * l))
    loss = 1.25 * acc[0, 0] / (b * l * d)
    return (zq_pad[:, :d].reshape(b, l, d), loss)

# --- scband reference (transcript-rebuilt; emitter-appended) ---
"""Pipeline reference for scband-vector-quantizer-69123203662177 (READ-ONLY COPY).

The authoritative reference and input builder live on the scoring server;
editing this copy changes nothing except your own understanding.
"""

import jax, jax.numpy as jnp
import numpy as np

NUM_EMBEDDING = 1024
EMBEDDING_DIM = 64
COMMITMENT_COST = 0.25


def setup_inputs(seed: int = 0) -> dict:
    key = jax.random.key(seed)
    k1, k2 = jax.random.split(key)
    x = jax.random.normal(k1, (32, 576, 64), dtype=jnp.float32)
    embedding = jax.random.uniform(
        k2, (NUM_EMBEDDING, EMBEDDING_DIM), dtype=jnp.float32,
        minval=-1.0 / NUM_EMBEDDING, maxval=1.0 / NUM_EMBEDDING)
    return {"x": x, "embedding": embedding}


def reference(x, embedding):
    B, L, D = x.shape
    flat_x = x.reshape(-1, D)
    # torch.cdist (p=2 Euclidean) equivalent
    d2 = (jnp.sum(flat_x ** 2, axis=1, keepdims=True)
          - 2.0 * flat_x @ embedding.T
          + jnp.sum(embedding ** 2, axis=1)[None, :])
    distances = jnp.sqrt(jnp.maximum(d2, 0.0))
    encoding_indices = jnp.argmin(distances, axis=1).reshape(B, L)
    zq = jnp.take(embedding, encoding_indices, axis=0)
    decoder_input = x + jax.lax.stop_gradient(zq - x)
    e_loss = jnp.mean((jax.lax.stop_gradient(zq) - x) ** 2)
    q_loss = jnp.mean((zq - jax.lax.stop_gradient(x)) ** 2)
    loss = COMMITMENT_COST * e_loss + q_loss
    return (decoder_input, loss)

if __name__ == "__main__":
    import jax
    _d = setup_inputs()
    print(jax.jit(kernel)(*tuple(_d.values())))

</pallas_src>

<mosaic_0001>
#map = affine_map<(d0, d1) -> (0, 0)>
#map1 = affine_map<(d0, d1) -> (0)>
module attributes {stable_mosaic.version = 14 : i64} {
  func.func @gather_k(%arg0: i32, %arg1: i32, %arg2: memref<1024x64xf32, #tpu.memory_space<hbm>>, %arg3: memref<18432xi32, #tpu.memory_space<hbm>>, %arg4: memref<18432x128xf32, #tpu.memory_space<hbm>>, %arg5: memref<576xi32, #tpu.memory_space<vmem>>, %arg6: memref<96x64xf32, #tpu.memory_space<vmem>>, %arg7: memref<96x64xf32, #tpu.memory_space<vmem>>, %arg8: memref<96x64xf32, #tpu.memory_space<vmem>>, %arg9: memref<96x64xf32, #tpu.memory_space<vmem>>, %arg10: memref<96x64xf32, #tpu.memory_space<vmem>>, %arg11: memref<96x64xf32, #tpu.memory_space<vmem>>, %arg12: memref<!tpu.dma_semaphore, #tpu.memory_space<semaphore_mem>>, %arg13: memref<!tpu.dma_semaphore, #tpu.memory_space<semaphore_mem>>) attributes {dimension_semantics = [#tpu.dimension_semantics<core_parallel>, #tpu.dimension_semantics<subcore_parallel>], iteration_bounds = array<i64: 2, 16>, scalar_prefetch = 0 : i64, scratch_operands = 9 : i64, tpu.core_type = #tpu.core_type<sc_vector_subcore>, window_params = [{transform_indices = #map}, {transform_indices = #map1}, {transform_indices = #map}]} {
    %mul3A = arith.constant 2 : i32
    %mul3A_0 = arith.muli %arg1, %mul3A : i32
    %add3A = arith.addi %mul3A_0, %arg0 : i32
    %mul3A_1 = arith.constant 576 : i32
    %mul3A_2 = arith.muli %add3A, %mul3A_1 : i32
    "tpu.region"() ({
      %run_scoped3A = tpu.sem_alloc : memref<!tpu.dma_semaphore, #tpu.memory_space<semaphore_mem>>
      %dma_start3A_121 = tpu.memref_slice %arg3[%mul3A_2] : memref<18432xi32, #tpu.memory_space<hbm>> -> memref<576xi32, #tpu.memory_space<hbm>>
      %dma_start3A_122 = tpu.memref_slice %arg3[%mul3A_2] : memref<18432xi32, #tpu.memory_space<hbm>> -> memref<576xi32, #tpu.memory_space<hbm>>
      tpu.enqueue_dma source(%dma_start3A_122 : memref<576xi32, #tpu.memory_space<hbm>>) target(%arg5 : memref<576xi32, #tpu.memory_space<vmem>>) target_semaphore(%run_scoped3A : memref<!tpu.dma_semaphore, #tpu.memory_space<semaphore_mem>>)
      %dma_wait3A_123 = tpu.memref_slice %arg3[%mul3A_2] : memref<18432xi32, #tpu.memory_space<hbm>> -> memref<576xi32, #tpu.memory_space<hbm>>
      %dma_wait3A_124 = tpu.memref_slice %arg3[%mul3A_2] : memref<18432xi32, #tpu.memory_space<hbm>> -> memref<576xi32, #tpu.memory_space<hbm>>
      tpu.wait_dma2 semaphore(%run_scoped3A : memref<!tpu.dma_semaphore, #tpu.memory_space<semaphore_mem>>) src(%dma_wait3A_124 : memref<576xi32, #tpu.memory_space<hbm>>) dst(%arg5 : memref<576xi32, #tpu.memory_space<vmem>>)
      tpu.yield
    }) : () -> ()
    %dma_start3A = arith.constant 0 : i32
    %dma_start3A_3 = tpu.memref_slice %arg5[%dma_start3A] : memref<576xi32, #tpu.memory_space<vmem>> -> memref<96xi32, #tpu.memory_space<vmem>>
    %dma_start3A_4 = arith.constant 0 : i32
    %dma_start3A_5 = arith.constant 0 : i32
    %dma_start3A_6 = tpu.memref_slice %arg2[%dma_start3A_4, %dma_start3A_5] : memref<1024x64xf32, #tpu.memory_space<hbm>> -> memref<1024x64xf32, #tpu.memory_space<hbm>>
    tpu.enqueue_indirect_dma source(%dma_start3A_6 : memref<1024x64xf32, #tpu.memory_space<hbm>>) target(%arg6 : memref<96x64xf32, #tpu.memory_space<vmem>>) offsets(%dma_start3A_3 : memref<96xi32, #tpu.memory_space<vmem>>) semaphore(%arg12 : memref<!tpu.dma_semaphore, #tpu.memory_space<semaphore_mem>>)
    %dma_start3A_7 = arith.constant 96 : i32
    %dma_start3A_8 = tpu.memref_slice %arg5[%dma_start3A_7] : memref<576xi32, #tpu.memory_space<vmem>> -> memref<96xi32, #tpu.memory_space<vmem>>
    %dma_start3A_9 = arith.constant 0 : i32
    %dma_start3A_10 = arith.constant 0 : i32
    %dma_start3A_11 = tpu.memref_slice %arg2[%dma_start3A_9, %dma_start3A_10] : memref<1024x64xf32, #tpu.memory_space<hbm>> -> memref<1024x64xf32, #tpu.memory_space<hbm>>
    tpu.enqueue_indirect_dma source(%dma_start3A_11 : memref<1024x64xf32, #tpu.memory_space<hbm>>) target(%arg7 : memref<96x64xf32, #tpu.memory_space<vmem>>) offsets(%dma_start3A_8 : memref<96xi32, #tpu.memory_space<vmem>>) semaphore(%arg12 : memref<!tpu.dma_semaphore, #tpu.memory_space<semaphore_mem>>)
    %dma_start3A_12 = arith.constant 192 : i32
    %dma_start3A_13 = tpu.memref_slice %arg5[%dma_start3A_12] : memref<576xi32, #tpu.memory_space<vmem>> -> memref<96xi32, #tpu.memory_space<vmem>>
    %dma_start3A_14 = arith.constant 0 : i32
    %dma_start3A_15 = arith.constant 0 : i32
    %dma_start3A_16 = tpu.memref_slice %arg2[%dma_start3A_14, %dma_start3A_15] : memref<1024x64xf32, #tpu.memory_space<hbm>> -> memref<1024x64xf32, #tpu.memory_space<hbm>>
    tpu.enqueue_indirect_dma source(%dma_start3A_16 : memref<1024x64xf32, #tpu.memory_space<hbm>>) target(%arg8 : memref<96x64xf32, #tpu.memory_space<vmem>>) offsets(%dma_start3A_13 : memref<96xi32, #tpu.memory_space<vmem>>) semaphore(%arg12 : memref<!tpu.dma_semaphore, #tpu.memory_space<semaphore_mem>>)
    %dma_start3A_17 = arith.constant 288 : i32
    %dma_start3A_18 = tpu.memref_slice %arg5[%dma_start3A_17] : memref<576xi32, #tpu.memory_space<vmem>> -> memref<96xi32, #tpu.memory_space<vmem>>
    %dma_start3A_19 = arith.constant 0 : i32
    %dma_start3A_20 = arith.constant 0 : i32
    %dma_start3A_21 = tpu.memref_slice %arg2[%dma_start3A_19, %dma_start3A_20] : memref<1024x64xf32, #tpu.memory_space<hbm>> -> memref<1024x64xf32, #tpu.memory_space<hbm>>
    tpu.enqueue_indirect_dma source(%dma_start3A_21 : memref<1024x64xf32, #tpu.memory_space<hbm>>) target(%arg9 : memref<96x64xf32, #tpu.memory_space<vmem>>) offsets(%dma_start3A_18 : memref<96xi32, #tpu.memory_space<vmem>>) semaphore(%arg12 : memref<!tpu.dma_semaphore, #tpu.memory_space<semaphore_mem>>)
    %dma_start3A_22 = arith.constant 384 : i32
    %dma_start3A_23 = tpu.memref_slice %arg5[%dma_start3A_22] : memref<576xi32, #tpu.memory_space<vmem>> -> memref<96xi32, #tpu.memory_space<vmem>>
    %dma_start3A_24 = arith.constant 0 : i32
    %dma_start3A_25 = arith.constant 0 : i32
    %dma_start3A_26 = tpu.memref_slice %arg2[%dma_start3A_24, %dma_start3A_25] : memref<1024x64xf32, #tpu.memory_space<hbm>> -> memref<1024x64xf32, #tpu.memory_space<hbm>>
    tpu.enqueue_indirect_dma source(%dma_start3A_26 : memref<1024x64xf32, #tpu.memory_space<hbm>>) target(%arg10 : memref<96x64xf32, #tpu.memory_space<vmem>>) offsets(%dma_start3A_23 : memref<96xi32, #tpu.memory_space<vmem>>) semaphore(%arg12 : memref<!tpu.dma_semaphore, #tpu.memory_space<semaphore_mem>>)
    %dma_start3A_27 = arith.constant 480 : i32
    %dma_start3A_28 = tpu.memref_slice %arg5[%dma_start3A_27] : memref<576xi32, #tpu.memory_space<vmem>> -> memref<96xi32, #tpu.memory_space<vmem>>
    %dma_start3A_29 = arith.constant 0 : i32
    %dma_start3A_30 = arith.constant 0 : i32
    %dma_start3A_31 = tpu.memref_slice %arg2[%dma_start3A_29, %dma_start3A_30] : memref<1024x64xf32, #tpu.memory_space<hbm>> -> memref<1024x64xf32, #tpu.memory_space<hbm>>
    tpu.enqueue_indirect_dma source(%dma_start3A_31 : memref<1024x64xf32, #tpu.memory_space<hbm>>) target(%arg11 : memref<96x64xf32, #tpu.memory_space<vmem>>) offsets(%dma_start3A_28 : memref<96xi32, #tpu.memory_space<vmem>>) semaphore(%arg12 : memref<!tpu.dma_semaphore, #tpu.memory_space<semaphore_mem>>)
    %dma_wait3A = arith.constant 0 : i32
    %dma_wait3A_32 = tpu.memref_slice %arg5[%dma_wait3A] : memref<576xi32, #tpu.memory_space<vmem>> -> memref<96xi32, #tpu.memory_space<vmem>>
    %dma_wait3A_33 = arith.constant 0 : i32
    %dma_wait3A_34 = arith.constant 0 : i32
    %dma_wait3A_35 = tpu.memref_slice %arg2[%dma_wait3A_33, %dma_wait3A_34] : memref<1024x64xf32, #tpu.memory_space<hbm>> -> memref<1024x64xf32, #tpu.memory_space<hbm>>
    tpu.wait_indirect_dma semaphore(%arg12 : memref<!tpu.dma_semaphore, #tpu.memory_space<semaphore_mem>>) src(%dma_wait3A_35 : memref<1024x64xf32, #tpu.memory_space<hbm>>) dst(%arg6 : memref<96x64xf32, #tpu.memory_space<vmem>>)
    %add3A_36 = arith.constant 0 : i32
    %add3A_37 = arith.addi %mul3A_2, %add3A_36 : i32
    %dma_start3A_38 = arith.constant 0 : i32
    %dma_start3A_39 = tpu.memref_slice %arg4[%add3A_37, %dma_start3A_38] : memref<18432x128xf32, #tpu.memory_space<hbm>> -> memref<96x64xf32, #tpu.memory_space<hbm>>
    %dma_start3A_40 = arith.constant 0 : i32
    %dma_start3A_41 = tpu.memref_slice %arg4[%add3A_37, %dma_start3A_40] : memref<18432x128xf32, #tpu.memory_space<hbm>> -> memref<96x64xf32, #tpu.memory_space<hbm>>
    tpu.enqueue_dma source(%arg6 : memref<96x64xf32, #tpu.memory_space<vmem>>) target(%dma_start3A_41 : memref<96x64xf32, #tpu.memory_space<hbm>>) target_semaphore(%arg13 : memref<!tpu.dma_semaphore, #tpu.memory_space<semaphore_mem>>)
    %dma_wait3A_42 = arith.constant 96 : i32
    %dma_wait3A_43 = tpu.memref_slice %arg5[%dma_wait3A_42] : memref<576xi32, #tpu.memory_space<vmem>> -> memref<96xi32, #tpu.memory_space<vmem>>
    %dma_wait3A_44 = arith.constant 0 : i32
    %dma_wait3A_45 = arith.constant 0 : i32
    %dma_wait3A_46 = tpu.memref_slice %arg2[%dma_wait3A_44, %dma_wait3A_45] : memref<1024x64xf32, #tpu.memory_space<hbm>> -> memref<1024x64xf32, #tpu.memory_space<hbm>>
    tpu.wait_indirect_dma semaphore(%arg12 : memref<!tpu.dma_semaphore, #tpu.memory_space<semaphore_mem>>) src(%dma_wait3A_46 : memref<1024x64xf32, #tpu.memory_space<hbm>>) dst(%arg7 : memref<96x64xf32, #tpu.memory_space<vmem>>)
    %add3A_47 = arith.constant 96 : i32
    %add3A_48 = arith.addi %mul3A_2, %add3A_47 : i32
    %dma_start3A_49 = arith.constant 0 : i32
    %dma_start3A_50 = tpu.memref_slice %arg4[%add3A_48, %dma_start3A_49] : memref<18432x128xf32, #tpu.memory_space<hbm>> -> memref<96x64xf32, #tpu.memory_space<hbm>>
    %dma_start3A_51 = arith.constant 0 : i32
    %dma_start3A_52 = tpu.memref_slice %arg4[%add3A_48, %dma_start3A_51] : memref<18432x128xf32, #tpu.memory_space<hbm>> -> memref<96x64xf32, #tpu.memory_space<hbm>>
    tpu.enqueue_dma source(%arg7 : memref<96x64xf32, #tpu.memory_space<vmem>>) target(%dma_start3A_52 : memref<96x64xf32, #tpu.memory_space<hbm>>) target_semaphore(%arg13 : memref<!tpu.dma_semaphore, #tpu.memory_space<semaphore_mem>>)
    %dma_wait3A_53 = arith.constant 192 : i32
    %dma_wait3A_54 = tpu.memref_slice %arg5[%dma_wait3A_53] : memref<576xi32, #tpu.memory_space<vmem>> -> memref<96xi32, #tpu.memory_space<vmem>>
    %dma_wait3A_55 = arith.constant 0 : i32
    %dma_wait3A_56 = arith.constant 0 : i32
    %dma_wait3A_57 = tpu.memref_slice %arg2[%dma_wait3A_55, %dma_wait3A_56] : memref<1024x64xf32, #tpu.memory_space<hbm>> -> memref<1024x64xf32, #tpu.memory_space<hbm>>
    tpu.wait_indirect_dma semaphore(%arg12 : memref<!tpu.dma_semaphore, #tpu.memory_space<semaphore_mem>>) src(%dma_wait3A_57 : memref<1024x64xf32, #tpu.memory_space<hbm>>) dst(%arg8 : memref<96x64xf32, #tpu.memory_space<vmem>>)
    %add3A_58 = arith.constant 192 : i32
    %add3A_59 = arith.addi %mul3A_2, %add3A_58 : i32
    %dma_start3A_60 = arith.constant 0 : i32
    %dma_start3A_61 = tpu.memref_slice %arg4[%add3A_59, %dma_start3A_60] : memref<18432x128xf32, #tpu.memory_space<hbm>> -> memref<96x64xf32, #tpu.memory_space<hbm>>
    %dma_start3A_62 = arith.constant 0 : i32
    %dma_start3A_63 = tpu.memref_slice %arg4[%add3A_59, %dma_start3A_62] : memref<18432x128xf32, #tpu.memory_space<hbm>> -> memref<96x64xf32, #tpu.memory_space<hbm>>
    tpu.enqueue_dma source(%arg8 : memref<96x64xf32, #tpu.memory_space<vmem>>) target(%dma_start3A_63 : memref<96x64xf32, #tpu.memory_space<hbm>>) target_semaphore(%arg13 : memref<!tpu.dma_semaphore, #tpu.memory_space<semaphore_mem>>)
    %dma_wait3A_64 = arith.constant 288 : i32
    %dma_wait3A_65 = tpu.memref_slice %arg5[%dma_wait3A_64] : memref<576xi32, #tpu.memory_space<vmem>> -> memref<96xi32, #tpu.memory_space<vmem>>
    %dma_wait3A_66 = arith.constant 0 : i32
    %dma_wait3A_67 = arith.constant 0 : i32
    %dma_wait3A_68 = tpu.memref_slice %arg2[%dma_wait3A_66, %dma_wait3A_67] : memref<1024x64xf32, #tpu.memory_space<hbm>> -> memref<1024x64xf32, #tpu.memory_space<hbm>>
    tpu.wait_indirect_dma semaphore(%arg12 : memref<!tpu.dma_semaphore, #tpu.memory_space<semaphore_mem>>) src(%dma_wait3A_68 : memref<1024x64xf32, #tpu.memory_space<hbm>>) dst(%arg9 : memref<96x64xf32, #tpu.memory_space<vmem>>)
    %add3A_69 = arith.constant 288 : i32
    %add3A_70 = arith.addi %mul3A_2, %add3A_69 : i32
    %dma_start3A_71 = arith.constant 0 : i32
    %dma_start3A_72 = tpu.memref_slice %arg4[%add3A_70, %dma_start3A_71] : memref<18432x128xf32, #tpu.memory_space<hbm>> -> memref<96x64xf32, #tpu.memory_space<hbm>>
    %dma_start3A_73 = arith.constant 0 : i32
    %dma_start3A_74 = tpu.memref_slice %arg4[%add3A_70, %dma_start3A_73] : memref<18432x128xf32, #tpu.memory_space<hbm>> -> memref<96x64xf32, #tpu.memory_space<hbm>>
    tpu.enqueue_dma source(%arg9 : memref<96x64xf32, #tpu.memory_space<vmem>>) target(%dma_start3A_74 : memref<96x64xf32, #tpu.memory_space<hbm>>) target_semaphore(%arg13 : memref<!tpu.dma_semaphore, #tpu.memory_space<semaphore_mem>>)
    %dma_wait3A_75 = arith.constant 384 : i32
    %dma_wait3A_76 = tpu.memref_slice %arg5[%dma_wait3A_75] : memref<576xi32, #tpu.memory_space<vmem>> -> memref<96xi32, #tpu.memory_space<vmem>>
    %dma_wait3A_77 = arith.constant 0 : i32
    %dma_wait3A_78 = arith.constant 0 : i32
    %dma_wait3A_79 = tpu.memref_slice %arg2[%dma_wait3A_77, %dma_wait3A_78] : memref<1024x64xf32, #tpu.memory_space<hbm>> -> memref<1024x64xf32, #tpu.memory_space<hbm>>
    tpu.wait_indirect_dma semaphore(%arg12 : memref<!tpu.dma_semaphore, #tpu.memory_space<semaphore_mem>>) src(%dma_wait3A_79 : memref<1024x64xf32, #tpu.memory_space<hbm>>) dst(%arg10 : memref<96x64xf32, #tpu.memory_space<vmem>>)
    %add3A_80 = arith.constant 384 : i32
    %add3A_81 = arith.addi %mul3A_2, %add3A_80 : i32
    %dma_start3A_82 = arith.constant 0 : i32
    %dma_start3A_83 = tpu.memref_slice %arg4[%add3A_81, %dma_start3A_82] : memref<18432x128xf32, #tpu.memory_space<hbm>> -> memref<96x64xf32, #tpu.memory_space<hbm>>
    %dma_start3A_84 = arith.constant 0 : i32
    %dma_start3A_85 = tpu.memref_slice %arg4[%add3A_81, %dma_start3A_84] : memref<18432x128xf32, #tpu.memory_space<hbm>> -> memref<96x64xf32, #tpu.memory_space<hbm>>
    tpu.enqueue_dma source(%arg10 : memref<96x64xf32, #tpu.memory_space<vmem>>) target(%dma_start3A_85 : memref<96x64xf32, #tpu.memory_space<hbm>>) target_semaphore(%arg13 : memref<!tpu.dma_semaphore, #tpu.memory_space<semaphore_mem>>)
    %dma_wait3A_86 = arith.constant 480 : i32
    %dma_wait3A_87 = tpu.memref_slice %arg5[%dma_wait3A_86] : memref<576xi32, #tpu.memory_space<vmem>> -> memref<96xi32, #tpu.memory_space<vmem>>
    %dma_wait3A_88 = arith.constant 0 : i32
    %dma_wait3A_89 = arith.constant 0 : i32
    %dma_wait3A_90 = tpu.memref_slice %arg2[%dma_wait3A_88, %dma_wait3A_89] : memref<1024x64xf32, #tpu.memory_space<hbm>> -> memref<1024x64xf32, #tpu.memory_space<hbm>>
    tpu.wait_indirect_dma semaphore(%arg12 : memref<!tpu.dma_semaphore, #tpu.memory_space<semaphore_mem>>) src(%dma_wait3A_90 : memref<1024x64xf32, #tpu.memory_space<hbm>>) dst(%arg11 : memref<96x64xf32, #tpu.memory_space<vmem>>)
    %add3A_91 = arith.constant 480 : i32
    %add3A_92 = arith.addi %mul3A_2, %add3A_91 : i32
    %dma_start3A_93 = arith.constant 0 : i32
    %dma_start3A_94 = tpu.memref_slice %arg4[%add3A_92, %dma_start3A_93] : memref<18432x128xf32, #tpu.memory_space<hbm>> -> memref<96x64xf32, #tpu.memory_space<hbm>>
    %dma_start3A_95 = arith.constant 0 : i32
    %dma_start3A_96 = tpu.memref_slice %arg4[%add3A_92, %dma_start3A_95] : memref<18432x128xf32, #tpu.memory_space<hbm>> -> memref<96x64xf32, #tpu.memory_space<hbm>>
    tpu.enqueue_dma source(%arg11 : memref<96x64xf32, #tpu.memory_space<vmem>>) target(%dma_start3A_96 : memref<96x64xf32, #tpu.memory_space<hbm>>) target_semaphore(%arg13 : memref<!tpu.dma_semaphore, #tpu.memory_space<semaphore_mem>>)
    %dma_wait3A_97 = arith.constant 0 : i32
    %dma_wait3A_98 = tpu.memref_slice %arg4[%add3A_37, %dma_wait3A_97] : memref<18432x128xf32, #tpu.memory_space<hbm>> -> memref<96x64xf32, #tpu.memory_space<hbm>>
    %dma_wait3A_99 = arith.constant 0 : i32
    %dma_wait3A_100 = tpu.memref_slice %arg4[%add3A_37, %dma_wait3A_99] : memref<18432x128xf32, #tpu.memory_space<hbm>> -> memref<96x64xf32, #tpu.memory_space<hbm>>
    tpu.wait_dma2 semaphore(%arg13 : memref<!tpu.dma_semaphore, #tpu.memory_space<semaphore_mem>>) src(%arg6 : memref<96x64xf32, #tpu.memory_space<vmem>>) dst(%dma_wait3A_100 : memref<96x64xf32, #tpu.memory_space<hbm>>)
    %dma_wait3A_101 = arith.constant 0 : i32
    %dma_wait3A_102 = tpu.memref_slice %arg4[%add3A_48, %dma_wait3A_101] : memref<18432x128xf32, #tpu.memory_space<hbm>> -> memref<96x64xf32, #tpu.memory_space<hbm>>
    %dma_wait3A_103 = arith.constant 0 : i32
    %dma_wait3A_104 = tpu.memref_slice %arg4[%add3A_48, %dma_wait3A_103] : memref<18432x128xf32, #tpu.memory_space<hbm>> -> memref<96x64xf32, #tpu.memory_space<hbm>>
    tpu.wait_dma2 semaphore(%arg13 : memref<!tpu.dma_semaphore, #tpu.memory_space<semaphore_mem>>) src(%arg7 : memref<96x64xf32, #tpu.memory_space<vmem>>) dst(%dma_wait3A_104 : memref<96x64xf32, #tpu.memory_space<hbm>>)
    %dma_wait3A_105 = arith.constant 0 : i32
    %dma_wait3A_106 = tpu.memref_slice %arg4[%add3A_59, %dma_wait3A_105] : memref<18432x128xf32, #tpu.memory_space<hbm>> -> memref<96x64xf32, #tpu.memory_space<hbm>>
    %dma_wait3A_107 = arith.constant 0 : i32
    %dma_wait3A_108 = tpu.memref_slice %arg4[%add3A_59, %dma_wait3A_107] : memref<18432x128xf32, #tpu.memory_space<hbm>> -> memref<96x64xf32, #tpu.memory_space<hbm>>
    tpu.wait_dma2 semaphore(%arg13 : memref<!tpu.dma_semaphore, #tpu.memory_space<semaphore_mem>>) src(%arg8 : memref<96x64xf32, #tpu.memory_space<vmem>>) dst(%dma_wait3A_108 : memref<96x64xf32, #tpu.memory_space<hbm>>)
    %dma_wait3A_109 = arith.constant 0 : i32
    %dma_wait3A_110 = tpu.memref_slice %arg4[%add3A_70, %dma_wait3A_109] : memref<18432x128xf32, #tpu.memory_space<hbm>> -> memref<96x64xf32, #tpu.memory_space<hbm>>
    %dma_wait3A_111 = arith.constant 0 : i32
    %dma_wait3A_112 = tpu.memref_slice %arg4[%add3A_70, %dma_wait3A_111] : memref<18432x128xf32, #tpu.memory_space<hbm>> -> memref<96x64xf32, #tpu.memory_space<hbm>>
    tpu.wait_dma2 semaphore(%arg13 : memref<!tpu.dma_semaphore, #tpu.memory_space<semaphore_mem>>) src(%arg9 : memref<96x64xf32, #tpu.memory_space<vmem>>) dst(%dma_wait3A_112 : memref<96x64xf32, #tpu.memory_space<hbm>>)
    %dma_wait3A_113 = arith.constant 0 : i32
    %dma_wait3A_114 = tpu.memref_slice %arg4[%add3A_81, %dma_wait3A_113] : memref<18432x128xf32, #tpu.memory_space<hbm>> -> memref<96x64xf32, #tpu.memory_space<hbm>>
    %dma_wait3A_115 = arith.constant 0 : i32
    %dma_wait3A_116 = tpu.memref_slice %arg4[%add3A_81, %dma_wait3A_115] : memref<18432x128xf32, #tpu.memory_space<hbm>> -> memref<96x64xf32, #tpu.memory_space<hbm>>
    tpu.wait_dma2 semaphore(%arg13 : memref<!tpu.dma_semaphore, #tpu.memory_space<semaphore_mem>>) src(%arg10 : memref<96x64xf32, #tpu.memory_space<vmem>>) dst(%dma_wait3A_116 : memref<96x64xf32, #tpu.memory_space<hbm>>)
    %dma_wait3A_117 = arith.constant 0 : i32
    %dma_wait3A_118 = tpu.memref_slice %arg4[%add3A_92, %dma_wait3A_117] : memref<18432x128xf32, #tpu.memory_space<hbm>> -> memref<96x64xf32, #tpu.memory_space<hbm>>
    %dma_wait3A_119 = arith.constant 0 : i32
    %dma_wait3A_120 = tpu.memref_slice %arg4[%add3A_92, %dma_wait3A_119] : memref<18432x128xf32, #tpu.memory_space<hbm>> -> memref<96x64xf32, #tpu.memory_space<hbm>>
    tpu.wait_dma2 semaphore(%arg13 : memref<!tpu.dma_semaphore, #tpu.memory_space<semaphore_mem>>) src(%arg11 : memref<96x64xf32, #tpu.memory_space<vmem>>) dst(%dma_wait3A_120 : memref<96x64xf32, #tpu.memory_space<hbm>>)
    return
  }
}

module attributes {stable_mosaic.version = 14 : i64} {
  func.func @_argmin_body(%arg0: i32, %arg1: memref<16x64x576xf32, #tpu.memory_space<vmem>>, %arg2: memref<16x576xf32, #tpu.memory_space<vmem>>, %arg3: memref<64x1024xf32, #tpu.memory_space<vmem>>, %arg4: memref<1024x1xf32, #tpu.memory_space<vmem>>, %arg5: memref<16x576xi32, #tpu.memory_space<vmem>>, %arg6: memref<8x128xf32, #tpu.memory_space<vmem>>) attributes {dimension_semantics = [#tpu.dimension_semantics<arbitrary>], iteration_bounds = array<i64: 2>, scalar_prefetch = 0 : i64, scratch_operands = 0 : i64, tpu.core_type = #tpu.core_type<tc>, window_params = [{transform_indices = @transform_0, window_bounds = array<i64: 16, 64, 576>}, {transform_indices = @transform_1, window_bounds = array<i64: 16, 576>}, {pipeline_mode = #tpu.pipeline_mode<synchronous>, transform_indices = @transform_2, window_bounds = array<i64: 64, 1024>}, {pipeline_mode = #tpu.pipeline_mode<synchronous>, transform_indices = @transform_3, window_bounds = array<i64: 1024, 1>}, {transform_indices = @transform_4, window_bounds = array<i64: 16, 576>}, {pipeline_mode = #tpu.pipeline_mode<synchronous>, transform_indices = @transform_5, window_bounds = array<i64: 8, 128>}]} {
    %iota3A = tpu.iota {dimensions = array<i32: 0>} : vector<1024x576xi32>
    %convert_element_type3A = arith.sitofp %iota3A : vector<1024x576xi32> to vector<1024x576xf32>
    %get3A = arith.constant 0 : index
    %get3A_0 = arith.constant 0 : index
    %get3A_1 = vector.load %arg3[%get3A, %get3A_0] : memref<64x1024xf32, #tpu.memory_space<vmem>>, vector<64x1024xf32>
    %get3A_2 = arith.constant 0 : index
    %get3A_3 = arith.constant 0 : index
    %get3A_4 = arith.constant 0 : index
    %get3A_5 = vector.load %arg1[%get3A_2, %get3A_3, %get3A_4] : memref<16x64x576xf32, #tpu.memory_space<vmem>>, vector<1x64x576xf32>
    %get3A_6 = vector.shape_cast %get3A_5 : vector<1x64x576xf32> to vector<64x576xf32>
    %dot_general3A = arith.constant dense<0.000000e+00> : vector<1024x576xf32>
    %dot_general3A_7 = tpu.matmul %get3A_1, %get3A_6, %dot_general3A {dimension_numbers = #tpu.dot_dimension_numbers<[0], [0], [1], [1], [0, 1, 1, 1], [], []>, transpose_lhs_hint = false} : vector<64x1024xf32>, vector<64x576xf32>, vector<1024x576xf32> -> vector<1024x576xf32>
    %get3A_8 = arith.constant 0 : index
    %get3A_9 = arith.constant 0 : index
    %get3A_10 = vector.load %arg2[%get3A_8, %get3A_9] : memref<16x576xf32, #tpu.memory_space<vmem>>, vector<1x576xf32>
    %mul3A = arith.constant 2.000000e+00 : f32
    %mul3A_11 = vector.broadcast %mul3A : f32 to vector<1024x576xf32>
    %mul3A_12 = arith.mulf %mul3A_11, %dot_general3A_7 : vector<1024x576xf32>
    %sub3A = vector.broadcast %get3A_10 : vector<1x576xf32> to vector<1024x576xf32>
    %sub3A_13 = arith.subf %sub3A, %mul3A_12 : vector<1024x576xf32>
    %get3A_14 = arith.constant 0 : index
    %get3A_15 = arith.constant 0 : index
    %get3A_16 = vector.load %arg4[%get3A_14, %get3A_15] : memref<1024x1xf32, #tpu.memory_space<vmem>>, vector<1024x1xf32>
    %add3A = vector.broadcast %get3A_16 : vector<1024x1xf32> to vector<1024x576xf32>
    %add3A_17 = arith.addf %sub3A_13, %add3A : vector<1024x576xf32>
    %max3A = arith.constant 0.000000e+00 : f32
    %max3A_18 = vector.broadcast %max3A : f32 to vector<1024x576xf32>
    %max3A_19 = arith.maximumf %add3A_17, %max3A_18 : vector<1024x576xf32>
    %eq3A = arith.constant 0.000000e+00 : f32
    %eq3A_20 = vector.broadcast %eq3A : f32 to vector<1024x576xf32>
    %eq3A_21 = arith.cmpf oeq, %max3A_19, %eq3A_20 : vector<1024x576xf32>
    %rsqrt3A = math.rsqrt %max3A_19 : vector<1024x576xf32>
    %mul3A_22 = arith.mulf %max3A_19, %rsqrt3A : vector<1024x576xf32>
    %jit3A = arith.constant 0.000000e+00 : f32
    %broadcast_in_dim3A = vector.broadcast %jit3A : f32 to vector<1024x576xf32>
    %select_n3A = arith.select %eq3A_21, %broadcast_in_dim3A, %mul3A_22 : vector<1024x576xi1>, vector<1024x576xf32>
    %reduce_min3A = arith.constant dense<0x7F800000> : vector<576xf32>
    %reduce_min3A_23 = vector.multi_reduction <minimumf>, %select_n3A, %reduce_min3A [0] : vector<1024x576xf32> to vector<576xf32>
    %broadcast_in_dim3A_24 = vector.shape_cast %reduce_min3A_23 : vector<576xf32> to vector<1x576xf32>
    %eq3A_25 = vector.broadcast %broadcast_in_dim3A_24 : vector<1x576xf32> to vector<1024x576xf32>
    %eq3A_26 = arith.cmpf oeq, %select_n3A, %eq3A_25 : vector<1024x576xf32>
    %jit3A_27 = arith.constant 1.024000e+03 : f32
    %broadcast_in_dim3A_28 = vector.broadcast %jit3A_27 : f32 to vector<1024x576xf32>
    %select_n3A_29 = arith.select %eq3A_26, %convert_element_type3A, %broadcast_in_dim3A_28 : vector<1024x576xi1>, vector<1024x576xf32>
    %reduce_min3A_30 = arith.constant dense<0x7F800000> : vector<576xf32>
    %reduce_min3A_31 = vector.multi_reduction <minimumf>, %select_n3A_29, %reduce_min3A_30 [0] : vector<1024x576xf32> to vector<576xf32>
    %broadcast_in_dim3A_32 = vector.shape_cast %reduce_min3A_31 : vector<576xf32> to vector<1x576xf32>
    %convert_element_type3A_33 = arith.fptosi %broadcast_in_dim3A_32 : vector<1x576xf32> to vector<1x576xi32>
    %swap3A = arith.constant 0 : index
    %swap3A_34 = arith.constant 0 : index
    %swap3A_35 = vector.load %arg5[%swap3A, %swap3A_34] : memref<16x576xi32, #tpu.memory_space<vmem>>, vector<1x576xi32>
    tpu.vector_store %arg5[%swap3A, %swap3A_34], %convert_element_type3A_33 {strides = array<i32>} : memref<16x576xi32, #tpu.memory_space<vmem>>, vector<1x576xi32>,
    %mul3A_36 = arith.mulf %broadcast_in_dim3A_24, %broadcast_in_dim3A_24 : vector<1x576xf32>
    %reduce_sum3A = vector.shape_cast %mul3A_36 : vector<1x576xf32> to vector<1x1x576xf32>
    %reduce_sum3A_37 = arith.constant dense<0.000000e+00> : vector<1xf32>
    %reduce_sum3A_38 = vector.multi_reduction <add>, %reduce_sum3A, %reduce_sum3A_37 [1, 2] : vector<1x1x576xf32> to vector<1xf32>
    %reduce_sum3A_39 = vector.shape_cast %reduce_sum3A_38 : vector<1xf32> to vector<1x1x1xf32>
    %reduce_sum3A_40 = vector.extract %reduce_sum3A_39[0, 0, 0] : f32 from vector<1x1x1xf32>
    %get3A_41 = arith.constant 0 : index
    %get3A_42 = arith.constant 0 : index
    %get3A_43 = vector.load %arg3[%get3A_41, %get3A_42] : memref<64x1024xf32, #tpu.memory_space<vmem>>, vector<64x1024xf32>
    %get3A_44 = arith.constant 1 : index
    %get3A_45 = arith.constant 0 : index
    %get3A_46 = arith.constant 0 : index
    %get3A_47 = vector.load %arg1[%get3A_44, %get3A_45, %get3A_46] : memref<16x64x576xf32, #tpu.memory_space<vmem>>, vector<1x64x576xf32>
    %get3A_48 = vector.shape_cast %get3A_47 : vector<1x64x576xf32> to vector<64x576xf32>
    %dot_general3A_49 = arith.constant dense<0.000000e+00> : vector<1024x576xf32>
    %dot_general3A_50 = tpu.matmul %get3A_43, %get3A_48, %dot_general3A_49 {dimension_numbers = #tpu.dot_dimension_numbers<[0], [0], [1], [1], [0, 1, 1, 1], [], []>, transpose_lhs_hint = false} : vector<64x1024xf32>, vector<64x576xf32>, vector<1024x576xf32> -> vector<1024x576xf32>
    %get3A_51 = arith.constant 1 : index
    %get3A_52 = arith.constant 0 : index
    %get3A_53 = vector.load %arg2[%get3A_51, %get3A_52] : memref<16x576xf32, #tpu.memory_space<vmem>>, vector<1x576xf32>
    %mul3A_54 = arith.constant 2.000000e+00 : f32
    %mul3A_55 = vector.broadcast %mul3A_54 : f32 to vector<1024x576xf32>
    %mul3A_56 = arith.mulf %mul3A_55, %dot_general3A_50 : vector<1024x576xf32>
    %sub3A_57 = vector.broadcast %get3A_53 : vector<1x576xf32> to vector<1024x576xf32>
    %sub3A_58 = arith.subf %sub3A_57, %mul3A_56 : vector<1024x576xf32>
    %get3A_59 = arith.constant 0 : index
    %get3A_60 = arith.constant 0 : index
    %get3A_61 = vector.load %arg4[%get3A_59, %get3A_60] : memref<1024x1xf32, #tpu.memory_space<vmem>>, vector<1024x1xf32>
    %add3A_62 = vector.broadcast %get3A_61 : vector<1024x1xf32> to vector<1024x576xf32>
    %add3A_63 = arith.addf %sub3A_58, %add3A_62 : vector<1024x576xf32>
    %max3A_64 = arith.constant 0.000000e+00 : f32
    %max3A_65 = vector.broadcast %max3A_64 : f32 to vector<1024x576xf32>
    %max3A_66 = arith.maximumf %add3A_63, %max3A_65 : vector<1024x576xf32>
    %eq3A_67 = arith.constant 0.000000e+00 : f32
    %eq3A_68 = vector.broadcast %eq3A_67 : f32 to vector<1024x576xf32>
    %eq3A_69 = arith.cmpf oeq, %max3A_66, %eq3A_68 : vector<1024x576xf32>
    %rsqrt3A_70 = math.rsqrt %max3A_66 : vector<1024x576xf32>
    %mul3A_71 = arith.mulf %max3A_66, %rsqrt3A_70 : vector<1024x576xf32>
    %jit3A_72 = arith.constant 0.000000e+00 : f32
    %broadcast_in_dim3A_73 = vector.broadcast %jit3A_72 : f32 to vector<1024x576xf32>
    %select_n3A_74 = arith.select %eq3A_69, %broadcast_in_dim3A_73, %mul3A_71 : vector<1024x576xi1>, vector<1024x576xf32>
    %reduce_min3A_75 = arith.constant dense<0x7F800000> : vector<576xf32>
    %reduce_min3A_76 = vector.multi_reduction <minimumf>, %select_n3A_74, %reduce_min3A_75 [0] : vector<1024x576xf32> to vector<576xf32>
    %broadcast_in_dim3A_77 = vector.shape_cast %reduce_min3A_76 : vector<576xf32> to vector<1x576xf32>
    %eq3A_78 = vector.broadcast %broadcast_in_dim3A_77 : vector<1x576xf32> to vector<1024x576xf32>
    %eq3A_79 = arith.cmpf oeq, %select_n3A_74, %eq3A_78 : vector<1024x576xf32>
    %jit3A_80 = arith.constant 1.024000e+03 : f32
    %broadcast_in_dim3A_81 = vector.broadcast %jit3A_80 : f32 to vector<1024x576xf32>
    %select_n3A_82 = arith.select %eq3A_79, %convert_element_type3A, %broadcast_in_dim3A_81 : vector<1024x576xi1>, vector<1024x576xf32>
    %reduce_min3A_83 = arith.constant dense<0x7F800000> : vector<576xf32>
    %reduce_min3A_84 = vector.multi_reduction <minimumf>, %select_n3A_82, %reduce_min3A_83 [0] : vector<1024x576xf32> to vector<576xf32>
    %broadcast_in_dim3A_85 = vector.shape_cast %reduce_min3A_84 : vector<576xf32> to vector<1x576xf32>
    %convert_element_type3A_86 = arith.fptosi %broadcast_in_dim3A_85 : vector<1x576xf32> to vector<1x576xi32>
    %swap3A_87 = arith.constant 1 : index
    %swap3A_88 = arith.constant 0 : index
    %swap3A_89 = vector.load %arg5[%swap3A_87, %swap3A_88] : memref<16x576xi32, #tpu.memory_space<vmem>>, vector<1x576xi32>
    tpu.vector_store %arg5[%swap3A_87, %swap3A_88], %convert_element_type3A_86 {strides = array<i32>} : memref<16x576xi32, #tpu.memory_space<vmem>>, vector<1x576xi32>,
    %mul3A_90 = arith.mulf %broadcast_in_dim3A_77, %broadcast_in_dim3A_77 : vector<1x576xf32>
    %reduce_sum3A_91 = vector.shape_cast %mul3A_90 : vector<1x576xf32> to vector<1x1x576xf32>
    %reduce_sum3A_92 = arith.constant dense<0.000000e+00> : vector<1xf32>
    %reduce_sum3A_93 = vector.multi_reduction <add>, %reduce_sum3A_91, %reduce_sum3A_92 [1, 2] : vector<1x1x576xf32> to vector<1xf32>
    %reduce_sum3A_94 = vector.shape_cast %reduce_sum3A_93 : vector<1xf32> to vector<1x1x1xf32>
    %reduce_sum3A_95 = vector.extract %reduce_sum3A_94[0, 0, 0] : f32 from vector<1x1x1xf32>
    %add3A_96 = arith.addf %reduce_sum3A_40, %reduce_sum3A_95 : f32
    %get3A_97 = arith.constant 0 : index
    %get3A_98 = arith.constant 0 : index
    %get3A_99 = vector.load %arg3[%get3A_97, %get3A_98] : memref<64x1024xf32, #tpu.memory_space<vmem>>, vector<64x1024xf32>
    %get3A_100 = arith.constant 2 : index
    %get3A_101 = arith.constant 0 : index
    %get3A_102 = arith.constant 0 : index
    %get3A_103 = vector.load %arg1[%get3A_100, %get3A_101, %get3A_102] : memref<16x64x576xf32, #tpu.memory_space<vmem>>, vector<1x64x576xf32>
    %get3A_104 = vector.shape_cast %get3A_103 : vector<1x64x576xf32> to vector<64x576xf32>
    %dot_general3A_105 = arith.constant dense<0.000000e+00> : vector<1024x576xf32>
    %dot_general3A_106 = tpu.matmul %get3A_99, %get3A_104, %dot_general3A_105 {dimension_numbers = #tpu.dot_dimension_numbers<[0], [0], [1], [1], [0, 1, 1, 1], [], []>, transpose_lhs_hint = false} : vector<64x1024xf32>, vector<64x576xf32>, vector<1024x576xf32> -> vector<1024x576xf32>
    %get3A_107 = arith.constant 2 : index
    %get3A_108 = arith.constant 0 : index
    %get3A_109 = vector.load %arg2[%get3A_107, %get3A_108] : memref<16x576xf32, #tpu.memory_space<vmem>>, vector<1x576xf32>
    %mul3A_110 = arith.constant 2.000000e+00 : f32
    %mul3A_111 = vector.broadcast %mul3A_110 : f32 to vector<1024x576xf32>
    %mul3A_112 = arith.mulf %mul3A_111, %dot_general3A_106 : vector<1024x576xf32>
    %sub3A_113 = vector.broadcast %get3A_109 : vector<1x576xf32> to vector<1024x576xf32>
    %sub3A_114 = arith.subf %sub3A_113, %mul3A_112 : vector<1024x576xf32>
    %get3A_115 = arith.constant 0 : index
    %get3A_116 = arith.constant 0 : index
    %get3A_117 = vector.load %arg4[%get3A_115, %get3A_116] : memref<1024x1xf32, #tpu.memory_space<vmem>>, vector<1024x1xf32>
    %add3A_118 = vector.broadcast %get3A_117 : vector<1024x1xf32> to vector<1024x576xf32>
    %add3A_119 = arith.addf %sub3A_114, %add3A_118 : vector<1024x576xf32>
    %max3A_120 = arith.constant 0.000000e+00 : f32
    %max3A_121 = vector.broadcast %max3A_120 : f32 to vector<1024x576xf32>
    %max3A_122 = arith.maximumf %add3A_119, %max3A_121 : vector<1024x576xf32>
    %eq3A_123 = arith.constant 0.000000e+00 : f32
    %eq3A_124 = vector.broadcast %eq3A_123 : f32 to vector<1024x576xf32>
    %eq3A_125 = arith.cmpf oeq, %max3A_122, %eq3A_124 : vector<1024x576xf32>
    %rsqrt3A_126 = math.rsqrt %max3A_122 : vector<1024x576xf32>
    %mul3A_127 = arith.mulf %max3A_122, %rsqrt3A_126 : vector<1024x576xf32>
    %jit3A_128 = arith.constant 0.000000e+00 : f32
    %broadcast_in_dim3A_129 = vector.broadcast %jit3A_128 : f32 to vector<1024x576xf32>
    %select_n3A_130 = arith.select %eq3A_125, %broadcast_in_dim3A_129, %mul3A_127 : vector<1024x576xi1>, vector<1024x576xf32>
    %reduce_min3A_131 = arith.constant dense<0x7F800000> : vector<576xf32>
    %reduce_min3A_132 = vector.multi_reduction <minimumf>, %select_n3A_130, %reduce_min3A_131 [0] : vector<1024x576xf32> to vector<576xf32>
    %broadcast_in_dim3A_133 = vector.shape_cast %reduce_min3A_132 : vector<576xf32> to vector<1x576xf32>
    %eq3A_134 = vector.broadcast %broadcast_in_dim3A_133 : vector<1x576xf32> to vector<1024x576xf32>
    %eq3A_135 = arith.cmpf oeq, %select_n3A_130, %eq3A_134 : vector<1024x576xf32>
    %jit3A_136 = arith.constant 1.024000e+03 : f32
    %broadcast_in_dim3A_137 = vector.broadcast %jit3A_136 : f32 to vector<1024x576xf32>
    %select_n3A_138 = arith.select %eq3A_135, %convert_element_type3A, %broadcast_in_dim3A_137 : vector<1024x576xi1>, vector<1024x576xf32>
    %reduce_min3A_139 = arith.constant dense<0x7F800000> : vector<576xf32>
    %reduce_min3A_140 = vector.multi_reduction <minimumf>, %select_n3A_138, %reduce_min3A_139 [0] : vector<1024x576xf32> to vector<576xf32>
    %broadcast_in_dim3A_141 = vector.shape_cast %reduce_min3A_140 : vector<576xf32> to vector<1x576xf32>
    %convert_element_type3A_142 = arith.fptosi %broadcast_in_dim3A_141 : vector<1x576xf32> to vector<1x576xi32>
    %swap3A_143 = arith.constant 2 : index
    %swap3A_144 = arith.constant 0 : index
    %swap3A_145 = vector.load %arg5[%swap3A_143, %swap3A_144] : memref<16x576xi32, #tpu.memory_space<vmem>>, vector<1x576xi32>
    tpu.vector_store %arg5[%swap3A_143, %swap3A_144], %convert_element_type3A_142 {strides = array<i32>} : memref<16x576xi32, #tpu.memory_space<vmem>>, vector<1x576xi32>,
    %mul3A_146 = arith.mulf %broadcast_in_dim3A_133, %broadcast_in_dim3A_133 : vector<1x576xf32>
    %reduce_sum3A_147 = vector.shape_cast %mul3A_146 : vector<1x576xf32> to vector<1x1x576xf32>
    %reduce_sum3A_148 = arith.constant dense<0.000000e+00> : vector<1xf32>
    %reduce_sum3A_149 = vector.multi_reduction <add>, %reduce_sum3A_147, %reduce_sum3A_148 [1, 2] : vector<1x1x576xf32> to vector<1xf32>
    %reduce_sum3A_150 = vector.shape_cast %reduce_sum3A_149 : vector<1xf32> to vector<1x1x1xf32>
    %reduce_sum3A_151 = vector.extract %reduce_sum3A_150[0, 0, 0] : f32 from vector<1x1x1xf32>
    %add3A_152 = arith.addf %add3A_96, %reduce_sum3A_151 : f32
    %get3A_153 = arith.constant 0 : index
    %get3A_154 = arith.constant 0 : index
    %get3A_155 = vector.load %arg3[%get3A_153, %get3A_154] : memref<64x1024xf32, #tpu.memory_space<vmem>>, vector<64x1024xf32>
    %get3A_156 = arith.constant 3 : index
    %get3A_157 = arith.constant 0 : index
    %get3A_158 = arith.constant 0 : index
    %get3A_159 = vector.load %arg1[%get3A_156, %get3A_157, %get3A_158] : memref<16x64x576xf32, #tpu.memory_space<vmem>>, vector<1x64x576xf32>
    %get3A_160 = vector.shape_cast %get3A_159 : vector<1x64x576xf32> to vector<64x576xf32>
    %dot_general3A_161 = arith.constant dense<0.000000e+00> : vector<1024x576xf32>
    %dot_general3A_162 = tpu.matmul %get3A_155, %get3A_160, %dot_general3A_161 {dimension_numbers = #tpu.dot_dimension_numbers<[0], [0], [1], [1], [0, 1, 1, 1], [], []>, transpose_lhs_hint = false} : vector<64x1024xf32>, vector<64x576xf32>, vector<1024x576xf32> -> vector<1024x576xf32>
    %get3A_163 = arith.constant 3 : index
    %get3A_164 = arith.constant 0 : index
    %get3A_165 = vector.load %arg2[%get3A_163, %get3A_164] : memref<16x576xf32, #tpu.memory_space<vmem>>, vector<1x576xf32>
    %mul3A_166 = arith.constant 2.000000e+00 : f32
    %mul3A_167 = vector.broadcast %mul3A_166 : f32 to vector<1024x576xf32>
    %mul3A_168 = arith.mulf %mul3A_167, %dot_general3A_162 : vector<1024x576xf32>
    %sub3A_169 = vector.broadcast %get3A_165 : vector<1x576xf32> to vector<1024x576xf32>
    %sub3A_170 = arith.subf %sub3A_169, %mul3A_168 : vector<1024x576xf32>
    %get3A_171 = arith.constant 0 : index
    %get3A_172 = arith.constant 0 : index
    %get3A_173 = vector.load %arg4[%get3A_171, %get3A_172] : memref<1024x1xf32, #tpu.memory_space<vmem>>, vector<1024x1xf32>
    %add3A_174 = vector.broadcast %get3A_173 : vector<1024x1xf32> to vector<1024x576xf32>
    %add3A_175 = arith.addf %sub3A_170, %add3A_174 : vector<1024x576xf32>
    %max3A_176 = arith.constant 0.000000e+00 : f32
    %max3A_177 = vector.broadcast %max3A_176 : f32 to vector<1024x576xf32>
    %max3A_178 = arith.maximumf %add3A_175, %max3A_177 : vector<1024x576xf32>
    %eq3A_179 = arith.constant 0.000000e+00 : f32
    %eq3A_180 = vector.broadcast %eq3A_179 : f32 to vector<1024x576xf32>
    %eq3A_181 = arith.cmpf oeq, %max3A_178, %eq3A_180 : vector<1024x576xf32>
    %rsqrt3A_182 = math.rsqrt %max3A_178 : vector<1024x576xf32>
    %mul3A_183 = arith.mulf %max3A_178, %rsqrt3A_182 : vector<1024x576xf32>
    %jit3A_184 = arith.constant 0.000000e+00 : f32
    %broadcast_in_dim3A_185 = vector.broadcast %jit3A_184 : f32 to vector<1024x576xf32>
    %select_n3A_186 = arith.select %eq3A_181, %broadcast_in_dim3A_185, %mul3A_183 : vector<1024x576xi1>, vector<1024x576xf32>
    %reduce_min3A_187 = arith.constant dense<0x7F800000> : vector<576xf32>
    %reduce_min3A_188 = vector.multi_reduction <minimumf>, %select_n3A_186, %reduce_min3A_187 [0] : vector<1024x576xf32> to vector<576xf32>
    %broadcast_in_dim3A_189 = vector.shape_cast %reduce_min3A_188 : vector<576xf32> to vector<1x576xf32>
    %eq3A_190 = vector.broadcast %broadcast_in_dim3A_189 : vector<1x576xf32> to vector<1024x576xf32>
    %eq3A_191 = arith.cmpf oeq, %select_n3A_186, %eq3A_190 : vector<1024x576xf32>
    %jit3A_192 = arith.constant 1.024000e+03 : f32
    %broadcast_in_dim3A_193 = vector.broadcast %jit3A_192 : f32 to vector<1024x576xf32>
    %select_n3A_194 = arith.select %eq3A_191, %convert_element_type3A, %broadcast_in_dim3A_193 : vector<1024x576xi1>, vector<1024x576xf32>
    %reduce_min3A_195 = arith.constant dense<0x7F800000> : vector<576xf32>
    %reduce_min3A_196 = vector.multi_reduction <minimumf>, %select_n3A_194, %reduce_min3A_195 [0] : vector<1024x576xf32> to vector<576xf32>
    %broadcast_in_dim3A_197 = vector.shape_cast %reduce_min3A_196 : vector<576xf32> to vector<1x576xf32>
    %convert_element_type3A_198 = arith.fptosi %broadcast_in_dim3A_197 : vector<1x576xf32> to vector<1x576xi32>
    %swap3A_199 = arith.constant 3 : index
    %swap3A_200 = arith.constant 0 : index
    %swap3A_201 = vector.load %arg5[%swap3A_199, %swap3A_200] : memref<16x576xi32, #tpu.memory_space<vmem>>, vector<1x576xi32>
    tpu.vector_store %arg5[%swap3A_199, %swap3A_200], %convert_element_type3A_198 {strides = array<i32>} : memref<16x576xi32, #tpu.memory_space<vmem>>, vector<1x576xi32>,
    %mul3A_202 = arith.mulf %broadcast_in_dim3A_189, %broadcast_in_dim3A_189 : vector<1x576xf32>
    %reduce_sum3A_203 = vector.shape_cast %mul3A_202 : vector<1x576xf32> to vector<1x1x576xf32>
    %reduce_sum3A_204 = arith.constant dense<0.000000e+00> : vector<1xf32>
    %reduce_sum3A_205 = vector.multi_reduction <add>, %reduce_sum3A_203, %reduce_sum3A_204 [1, 2] : vector<1x1x576xf32> to vector<1xf32>
    %reduce_sum3A_206 = vector.shape_cast %reduce_sum3A_205 : vector<1xf32> to vector<1x1x1xf32>
    %reduce_sum3A_207 = vector.extract %reduce_sum3A_206[0, 0, 0] : f32 from vector<1x1x1xf32>
    %add3A_208 = arith.addf %add3A_152, %reduce_sum3A_207 : f32
    %get3A_209 = arith.constant 0 : index
    %get3A_210 = arith.constant 0 : index
    %get3A_211 = vector.load %arg3[%get3A_209, %get3A_210] : memref<64x1024xf32, #tpu.memory_space<vmem>>, vector<64x1024xf32>
    %get3A_212 = arith.constant 4 : index
    %get3A_213 = arith.constant 0 : index
    %get3A_214 = arith.constant 0 : index
    %get3A_215 = vector.load %arg1[%get3A_212, %get3A_213, %get3A_214] : memref<16x64x576xf32, #tpu.memory_space<vmem>>, vector<1x64x576xf32>
    %get3A_216 = vector.shape_cast %get3A_215 : vector<1x64x576xf32> to vector<64x576xf32>
    %dot_general3A_217 = arith.constant dense<0.000000e+00> : vector<1024x576xf32>
    %dot_general3A_218 = tpu.matmul %get3A_211, %get3A_216, %dot_general3A_217 {dimension_numbers = #tpu.dot_dimension_numbers<[0], [0], [1], [1], [0, 1, 1, 1], [], []>, transpose_lhs_hint = false} : vector<64x1024xf32>, vector<64x576xf32>, vector<1024x576xf32> -> vector<1024x576xf32>
    %get3A_219 = arith.constant 4 : index
    %get3A_220 = arith.constant 0 : index
    %get3A_221 = vector.load %arg2[%get3A_219, %get3A_220] : memref<16x576xf32, #tpu.memory_space<vmem>>, vector<1x576xf32>
    %mul3A_222 = arith.constant 2.000000e+00 : f32
    %mul3A_223 = vector.broadcast %mul3A_222 : f32 to vector<1024x576xf32>
    %mul3A_224 = arith.mulf %mul3A_223, %dot_general3A_218 : vector<1024x576xf32>
    %sub3A_225 = vector.broadcast %get3A_221 : vector<1x576xf32> to vector<1024x576xf32>
    %sub3A_226 = arith.subf %sub3A_225, %mul3A_224 : vector<1024x576xf32>
    %get3A_227 = arith.constant 0 : index
    %get3A_228 = arith.constant 0 : index
    %get3A_229 = vector.load %arg4[%get3A_227, %get3A_228] : memref<1024x1xf32, #tpu.memory_space<vmem>>, vector<1024x1xf32>
    %add3A_230 = vector.broadcast %get3A_229 : vector<1024x1xf32> to vector<1024x576xf32>
    %add3A_231 = arith.addf %sub3A_226, %add3A_230 : vector<1024x576xf32>
    %max3A_232 = arith.constant 0.000000e+00 : f32
    %max3A_233 = vector.broadcast %max3A_232 : f32 to vector<1024x576xf32>
    %max3A_234 = arith.maximumf %add3A_231, %max3A_233 : vector<1024x576xf32>
    %eq3A_235 = arith.constant 0.000000e+00 : f32
    %eq3A_236 = vector.broadcast %eq3A_235 : f32 to vector<1024x576xf32>
    %eq3A_237 = arith.cmpf oeq, %max3A_234, %eq3A_236 : vector<1024x576xf32>
    %rsqrt3A_238 = math.rsqrt %max3A_234 : vector<1024x576xf32>
    %mul3A_239 = arith.mulf %max3A_234, %rsqrt3A_238 : vector<1024x576xf32>
    %jit3A_240 = arith.constant 0.000000e+00 : f32
    %broadcast_in_dim3A_241 = vector.broadcast %jit3A_240 : f32 to vector<1024x576xf32>
    %select_n3A_242 = arith.select %eq3A_237, %broadcast_in_dim3A_241, %mul3A_239 : vector<1024x576xi1>, vector<1024x576xf32>
    %reduce_min3A_243 = arith.constant dense<0x7F800000> : vector<576xf32>
    %reduce_min3A_244 = vector.multi_reduction <minimumf>, %select_n3A_242, %reduce_min3A_243 [0] : vector<1024x576xf32> to vector<576xf32>
    %broadcast_in_dim3A_245 = vector.shape_cast %reduce_min3A_244 : vector<576xf32> to vector<1x576xf32>
    %eq3A_246 = vector.broadcast %broadcast_in_dim3A_245 : vector<1x576xf32> to vector<1024x576xf32>
    %eq3A_247 = arith.cmpf oeq, %select_n3A_242, %eq3A_246 : vector<1024x576xf32>
    %jit3A_248 = arith.constant 1.024000e+03 : f32
    %broadcast_in_dim3A_249 = vector.broadcast %jit3A_248 : f32 to vector<1024x576xf32>
    %select_n3A_250 = arith.select %eq3A_247, %convert_element_type3A, %broadcast_in_dim3A_249 : vector<1024x576xi1>, vector<1024x576xf32>
    %reduce_min3A_251 = arith.constant dense<0x7F800000> : vector<576xf32>
    %reduce_min3A_252 = vector.multi_reduction <minimumf>, %select_n3A_250, %reduce_min3A_251 [0] : vector<1024x576xf32> to vector<576xf32>
    %broadcast_in_dim3A_253 = vector.shape_cast %reduce_min3A_252 : vector<576xf32> to vector<1x576xf32>
    %convert_element_type3A_254 = arith.fptosi %broadcast_in_dim3A_253 : vector<1x576xf32> to vector<1x576xi32>
    %swap3A_255 = arith.constant 4 : index
    %swap3A_256 = arith.constant 0 : index
    %swap3A_257 = vector.load %arg5[%swap3A_255, %swap3A_256] : memref<16x576xi32, #tpu.memory_space<vmem>>, vector<1x576xi32>
    tpu.vector_store %arg5[%swap3A_255, %swap3A_256], %convert_element_type3A_254 {strides = array<i32>} : memref<16x576xi32, #tpu.memory_space<vmem>>, vector<1x576xi32>,
    %mul3A_258 = arith.mulf %broadcast_in_dim3A_245, %broadcast_in_dim3A_245 : vector<1x576xf32>
    %reduce_sum3A_259 = vector.shape_cast %mul3A_258 : vector<1x576xf32> to vector<1x1x576xf32>
    %reduce_sum3A_260 = arith.constant dense<0.000000e+00> : vector<1xf32>
    %reduce_sum3A_261 = vector.multi_reduction <add>, %reduce_sum3A_259, %reduce_sum3A_260 [1, 2] : vector<1x1x576xf32> to vector<1xf32>
    %reduce_sum3A_262 = vector.shape_cast %reduce_sum3A_261 : vector<1xf32> to vector<1x1x1xf32>
    %reduce_sum3A_263 = vector.extract %reduce_sum3A_262[0, 0, 0] : f32 from vector<1x1x1xf32>
    %add3A_264 = arith.addf %add3A_208, %reduce_sum3A_263 : f32
    %get3A_265 = arith.constant 0 : index
    %get3A_266 = arith.constant 0 : index
    %get3A_267 = vector.load %arg3[%get3A_265, %get3A_266] : memref<64x1024xf32, #tpu.memory_space<vmem>>, vector<64x1024xf32>
    %get3A_268 = arith.constant 5 : index
    %get3A_269 = arith.constant 0 : index
    %get3A_270 = arith.constant 0 : index
    %get3A_271 = vector.load %arg1[%get3A_268, %get3A_269, %get3A_270] : memref<16x64x576xf32, #tpu.memory_space<vmem>>, vector<1x64x576xf32>
    %get3A_272 = vector.shape_cast %get3A_271 : vector<1x64x576xf32> to vector<64x576xf32>
    %dot_general3A_273 = arith.constant dense<0.000000e+00> : vector<1024x576xf32>
    %dot_general3A_274 = tpu.matmul %get3A_267, %get3A_272, %dot_general3A_273 {dimension_numbers = #tpu.dot_dimension_numbers<[0], [0], [1], [1], [0, 1, 1, 1], [], []>, transpose_lhs_hint = false} : vector<64x1024xf32>, vector<64x576xf32>, vector<1024x576xf32> -> vector<1024x576xf32>
    %get3A_275 = arith.constant 5 : index
    %get3A_276 = arith.constant 0 : index
    %get3A_277 = vector.load %arg2[%get3A_275, %get3A_276] : memref<16x576xf32, #tpu.memory_space<vmem>>, vector<1x576xf32>
    %mul3A_278 = arith.constant 2.000000e+00 : f32
    %mul3A_279 = vector.broadcast %mul3A_278 : f32 to vector<1024x576xf32>
    %mul3A_280 = arith.mulf %mul3A_279, %dot_general3A_274 : vector<1024x576xf32>
    %sub3A_281 = vector.broadcast %get3A_277 : vector<1x576xf32> to vector<1024x576xf32>
    %sub3A_282 = arith.subf %sub3A_281, %mul3A_280 : vector<1024x576xf32>
    %get3A_283 = arith.constant 0 : index
    %get3A_284 = arith.constant 0 : index
    %get3A_285 = vector.load %arg4[%get3A_283, %get3A_284] : memref<1024x1xf32, #tpu.memory_space<vmem>>, vector<1024x1xf32>
    %add3A_286 = vector.broadcast %get3A_285 : vector<1024x1xf32> to vector<1024x576xf32>
    %add3A_287 = arith.addf %sub3A_282, %add3A_286 : vector<1024x576xf32>
    %max3A_288 = arith.constant 0.000000e+00 : f32
    %max3A_289 = vector.broadcast %max3A_288 : f32 to vector<1024x576xf32>
    %max3A_290 = arith.maximumf %add3A_287, %max3A_289 : vector<1024x576xf32>
    %eq3A_291 = arith.constant 0.000000e+00 : f32
    %eq3A_292 = vector.broadcast %eq3A_291 : f32 to vector<1024x576xf32>
    %eq3A_293 = arith.cmpf oeq, %max3A_290, %eq3A_292 : vector<1024x576xf32>
    %rsqrt3A_294 = math.rsqrt %max3A_290 : vector<1024x576xf32>
    %mul3A_295 = arith.mulf %max3A_290, %rsqrt3A_294 : vector<1024x576xf32>
    %jit3A_296 = arith.constant 0.000000e+00 : f32
    %broadcast_in_dim3A_297 = vector.broadcast %jit3A_296 : f32 to vector<1024x576xf32>
    %select_n3A_298 = arith.select %eq3A_293, %broadcast_in_dim3A_297, %mul3A_295 : vector<1024x576xi1>, vector<1024x576xf32>
    %reduce_min3A_299 = arith.constant dense<0x7F800000> : vector<576xf32>
    %reduce_min3A_300 = vector.multi_reduction <minimumf>, %select_n3A_298, %reduce_min3A_299 [0] : vector<1024x576xf32> to vector<576xf32>
    %broadcast_in_dim3A_301 = vector.shape_cast %reduce_min3A_300 : vector<576xf32> to vector<1x576xf32>
    %eq3A_302 = vector.broadcast %broadcast_in_dim3A_301 : vector<1x576xf32> to vector<1024x576xf32>
    %eq3A_303 = arith.cmpf oeq, %select_n3A_298, %eq3A_302 : vector<1024x576xf32>
    %jit3A_304 = arith.constant 1.024000e+03 : f32
    %broadcast_in_dim3A_305 = vector.broadcast %jit3A_304 : f32 to vector<1024x576xf32>
    %select_n3A_306 = arith.select %eq3A_303, %convert_element_type3A, %broadcast_in_dim3A_305 : vector<1024x576xi1>, vector<1024x576xf32>
    %reduce_min3A_307 = arith.constant dense<0x7F800000> : vector<576xf32>
    %reduce_min3A_308 = vector.multi_reduction <minimumf>, %select_n3A_306, %reduce_min3A_307 [0] : vector<1024x576xf32> to vector<576xf32>
    %broadcast_in_dim3A_309 = vector.shape_cast %reduce_min3A_308 : vector<576xf32> to vector<1x576xf32>
    %convert_element_type3A_310 = arith.fptosi %broadcast_in_dim3A_309 : vector<1x576xf32> to vector<1x576xi32>
    %swap3A_311 = arith.constant 5 : index
    %swap3A_312 = arith.constant 0 : index
    %swap3A_313 = vector.load %arg5[%swap3A_311, %swap3A_312] : memref<16x576xi32, #tpu.memory_space<vmem>>, vector<1x576xi32>
    tpu.vector_store %arg5[%swap3A_311, %swap3A_312], %convert_element_type3A_310 {strides = array<i32>} : memref<16x576xi32, #tpu.memory_space<vmem>>, vector<1x576xi32>,
    %mul3A_314 = arith.mulf %broadcast_in_dim3A_301, %broadcast_in_dim3A_301 : vector<1x576xf32>
    %reduce_sum3A_315 = vector.shape_cast %mul3A_314 : vector<1x576xf32> to vector<1x1x576xf32>
    %reduce_sum3A_316 = arith.constant dense<0.000000e+00> : vector<1xf32>
    %reduce_sum3A_317 = vector.multi_reduction <add>, %reduce_sum3A_315, %reduce_sum3A_316 [1, 2] : vector<1x1x576xf32> to vector<1xf32>
    %reduce_sum3A_318 = vector.shape_cast %reduce_sum3A_317 : vector<1xf32> to vector<1x1x1xf32>
    %reduce_sum3A_319 = vector.extract %reduce_sum3A_318[0, 0, 0] : f32 from vector<1x1x1xf32>
    %add3A_320 = arith.addf %add3A_264, %reduce_sum3A_319 : f32
    %get3A_321 = arith.constant 0 : index
    %get3A_322 = arith.constant 0 : index
    %get3A_323 = vector.load %arg3[%get3A_321, %get3A_322] : memref<64x1024xf32, #tpu.memory_space<vmem>>, vector<64x1024xf32>
    %get3A_324 = arith.constant 6 : index
    %get3A_325 = arith.constant 0 : index
    %get3A_326 = arith.constant 0 : index
    %get3A_327 = vector.load %arg1[%get3A_324, %get3A_325, %get3A_326] : memref<16x64x576xf32, #tpu.memory_space<vmem>>, vector<1x64x576xf32>
    %get3A_328 = vector.shape_cast %get3A_327 : vector<1x64x576xf32> to vector<64x576xf32>
    %dot_general3A_329 = arith.constant dense<0.000000e+00> : vector<1024x576xf32>
    %dot_general3A_330 = tpu.matmul %get3A_323, %get3A_328, %dot_general3A_329 {dimension_numbers = #tpu.dot_dimension_numbers<[0], [0], [1], [1], [0, 1, 1, 1], [], []>, transpose_lhs_hint = false} : vector<64x1024xf32>, vector<64x576xf32>, vector<1024x576xf32> -> vector<1024x576xf32>
    %get3A_331 = arith.constant 6 : index
    %get3A_332 = arith.constant 0 : index
    %get3A_333 = vector.load %arg2[%get3A_331, %get3A_332] : memref<16x576xf32, #tpu.memory_space<vmem>>, vector<1x576xf32>
    %mul3A_334 = arith.constant 2.000000e+00 : f32
    %mul3A_335 = vector.broadcast %mul3A_334 : f32 to vector<1024x576xf32>
    %mul3A_336 = arith.mulf %mul3A_335, %dot_general3A_330 : vector<1024x576xf32>
    %sub3A_337 = vector.broadcast %get3A_333 : vector<1x576xf32> to vector<1024x576xf32>
    %sub3A_338 = arith.subf %sub3A_337, %mul3A_336 : vector<1024x576xf32>
    %get3A_339 = arith.constant 0 : index
    %get3A_340 = arith.constant 0 : index
    %get3A_341 = vector.load %arg4[%get3A_339, %get3A_340] : memref<1024x1xf32, #tpu.memory_space<vmem>>, vector<1024x1xf32>
    %add3A_342 = vector.broadcast %get3A_341 : vector<1024x1xf32> to vector<1024x576xf32>
    %add3A_343 = arith.addf %sub3A_338, %add3A_342 : vector<1024x576xf32>
    %max3A_344 = arith.constant 0.000000e+00 : f32
    %max3A_345 = vector.broadcast %max3A_344 : f32 to vector<1024x576xf32>
    %max3A_346 = arith.maximumf %add3A_343, %max3A_345 : vector<1024x576xf32>
    %eq3A_347 = arith.constant 0.000000e+00 : f32
    %eq3A_348 = vector.broadcast %eq3A_347 : f32 to vector<1024x576xf32>
    %eq3A_349 = arith.cmpf oeq, %max3A_346, %eq3A_348 : vector<1024x576xf32>
    %rsqrt3A_350 = math.rsqrt %max3A_346 : vector<1024x576xf32>
    %mul3A_351 = arith.mulf %max3A_346, %rsqrt3A_350 : vector<1024x576xf32>
    %jit3A_352 = arith.constant 0.000000e+00 : f32
    %broadcast_in_dim3A_353 = vector.broadcast %jit3A_352 : f32 to vector<1024x576xf32>
    %select_n3A_354 = arith.select %eq3A_349, %broadcast_in_dim3A_353, %mul3A_351 : vector<1024x576xi1>, vector<1024x576xf32>
    %reduce_min3A_355 = arith.constant dense<0x7F800000> : vector<576xf32>
    %reduce_min3A_356 = vector.multi_reduction <minimumf>, %select_n3A_354, %reduce_min3A_355 [0] : vector<1024x576xf32> to vector<576xf32>
    %broadcast_in_dim3A_357 = vector.shape_cast %reduce_min3A_356 : vector<576xf32> to vector<1x576xf32>
    %eq3A_358 = vector.broadcast %broadcast_in_dim3A_357 : vector<1x576xf32> to vector<1024x576xf32>
    %eq3A_359 = arith.cmpf oeq, %select_n3A_354, %eq3A_358 : vector<1024x576xf32>
    %jit3A_360 = arith.constant 1.024000e+03 : f32
    %broadcast_in_dim3A_361 = vector.broadcast %jit3A_360 : f32 to vector<1024x576xf32>
    %select_n3A_362 = arith.select %eq3A_359, %convert_element_type3A, %broadcast_in_dim3A_361 : vector<1024x576xi1>, vector<1024x576xf32>
    %reduce_min3A_363 = arith.constant dense<0x7F800000> : vector<576xf32>
    %reduce_min3A_364 = vector.multi_reduction <minimumf>, %select_n3A_362, %reduce_min3A_363 [0] : vector<1024x576xf32> to vector<576xf32>
    %broadcast_in_dim3A_365 = vector.shape_cast %reduce_min3A_364 : vector<576xf32> to vector<1x576xf32>
    %convert_element_type3A_366 = arith.fptosi %broadcast_in_dim3A_365 : vector<1x576xf32> to vector<1x576xi32>
    %swap3A_367 = arith.constant 6 : index
    %swap3A_368 = arith.constant 0 : index
    %swap3A_369 = vector.load %arg5[%swap3A_367, %swap3A_368] : memref<16x576xi32, #tpu.memory_space<vmem>>, vector<1x576xi32>
    tpu.vector_store %arg5[%swap3A_367, %swap3A_368], %convert_element_type3A_366 {strides = array<i32>} : memref<16x576xi32, #tpu.memory_space<vmem>>, vector<1x576xi32>,
    %mul3A_370 = arith.mulf %broadcast_in_dim3A_357, %broadcast_in_dim3A_357 : vector<1x576xf32>
    %reduce_sum3A_371 = vector.shape_cast %mul3A_370 : vector<1x576xf32> to vector<1x1x576xf32>
    %reduce_sum3A_372 = arith.constant dense<0.000000e+00> : vector<1xf32>
    %reduce_sum3A_373 = vector.multi_reduction <add>, %reduce_sum3A_371, %reduce_sum3A_372 [1, 2] : vector<1x1x576xf32> to vector<1xf32>
    %reduce_sum3A_374 = vector.shape_cast %reduce_sum3A_373 : vector<1xf32> to vector<1x1x1xf32>
    %reduce_sum3A_375 = vector.extract %reduce_sum3A_374[0, 0, 0] : f32 from vector<1x1x1xf32>
    %add3A_376 = arith.addf %add3A_320, %reduce_sum3A_375 : f32
    %get3A_377 = arith.constant 0 : index
    %get3A_378 = arith.constant 0 : index
    %get3A_379 = vector.load %arg3[%get3A_377, %get3A_378] : memref<64x1024xf32, #tpu.memory_space<vmem>>, vector<64x1024xf32>
    %get3A_380 = arith.constant 7 : index
    %get3A_381 = arith.constant 0 : index
    %get3A_382 = arith.constant 0 : index
    %get3A_383 = vector.load %arg1[%get3A_380, %get3A_381, %get3A_382] : memref<16x64x576xf32, #tpu.memory_space<vmem>>, vector<1x64x576xf32>
    %get3A_384 = vector.shape_cast %get3A_383 : vector<1x64x576xf32> to vector<64x576xf32>
    %dot_general3A_385 = arith.constant dense<0.000000e+00> : vector<1024x576xf32>
    %dot_general3A_386 = tpu.matmul %get3A_379, %get3A_384, %dot_general3A_385 {dimension_numbers = #tpu.dot_dimension_numbers<[0], [0], [1], [1], [0, 1, 1, 1], [], []>, transpose_lhs_hint = false} : vector<64x1024xf32>, vector<64x576xf32>, vector<1024x576xf32> -> vector<1024x576xf32>
    %get3A_387 = arith.constant 7 : index
    %get3A_388 = arith.constant 0 : index
    %get3A_389 = vector.load %arg2[%get3A_387, %get3A_388] : memref<16x576xf32, #tpu.memory_space<vmem>>, vector<1x576xf32>
    %mul3A_390 = arith.constant 2.000000e+00 : f32
    %mul3A_391 = vector.broadcast %mul3A_390 : f32 to vector<1024x576xf32>
    %mul3A_392 = arith.mulf %mul3A_391, %dot_general3A_386 : vector<1024x576xf32>
    %sub3A_393 = vector.broadcast %get3A_389 : vector<1x576xf32> to vector<1024x576xf32>
    %sub3A_394 = arith.subf %sub3A_393, %mul3A_392 : vector<1024x576xf32>
    %get3A_395 = arith.constant 0 : index
    %get3A_396 = arith.constant 0 : index
    %get3A_397 = vector.load %arg4[%get3A_395, %get3A_396] : memref<1024x1xf32, #tpu.memory_space<vmem>>, vector<1024x1xf32>
    %add3A_398 = vector.broadcast %get3A_397 : vector<1024x1xf32> to vector<1024x576xf32>
    %add3A_399 = arith.addf %sub3A_394, %add3A_398 : vector<1024x576xf32>
    %max3A_400 = arith.constant 0.000000e+00 : f32
    %max3A_401 = vector.broadcast %max3A_400 : f32 to vector<1024x576xf32>
    %max3A_402 = arith.maximumf %add3A_399, %max3A_401 : vector<1024x576xf32>
    %eq3A_403 = arith.constant 0.000000e+00 : f32
    %eq3A_404 = vector.broadcast %eq3A_403 : f32 to vector<1024x576xf32>
    %eq3A_405 = arith.cmpf oeq, %max3A_402, %eq3A_404 : vector<1024x576xf32>
    %rsqrt3A_406 = math.rsqrt %max3A_402 : vector<1024x576xf32>
    %mul3A_407 = arith.mulf %max3A_402, %rsqrt3A_406 : vector<1024x576xf32>
    %jit3A_408 = arith.constant 0.000000e+00 : f32
    %broadcast_in_dim3A_409 = vector.broadcast %jit3A_408 : f32 to vector<1024x576xf32>
    %select_n3A_410 = arith.select %eq3A_405, %broadcast_in_dim3A_409, %mul3A_407 : vector<1024x576xi1>, vector<1024x576xf32>
    %reduce_min3A_411 = arith.constant dense<0x7F800000> : vector<576xf32>
    %reduce_min3A_412 = vector.multi_reduction <minimumf>, %select_n3A_410, %reduce_min3A_411 [0] : vector<1024x576xf32> to vector<576xf32>
    %broadcast_in_dim3A_413 = vector.shape_cast %reduce_min3A_412 : vector<576xf32> to vector<1x576xf32>
    %eq3A_414 = vector.broadcast %broadcast_in_dim3A_413 : vector<1x576xf32> to vector<1024x576xf32>
    %eq3A_415 = arith.cmpf oeq, %select_n3A_410, %eq3A_414 : vector<1024x576xf32>
    %jit3A_416 = arith.constant 1.024000e+03 : f32
    %broadcast_in_dim3A_417 = vector.broadcast %jit3A_416 : f32 to vector<1024x576xf32>
    %select_n3A_418 = arith.select %eq3A_415, %convert_element_type3A, %broadcast_in_dim3A_417 : vector<1024x576xi1>, vector<1024x576xf32>
    %reduce_min3A_419 = arith.constant dense<0x7F800000> : vector<576xf32>
    %reduce_min3A_420 = vector.multi_reduction <minimumf>, %select_n3A_418, %reduce_min3A_419 [0] : vector<1024x576xf32> to vector<576xf32>
    %broadcast_in_dim3A_421 = vector.shape_cast %reduce_min3A_420 : vector<576xf32> to vector<1x576xf32>
    %convert_element_type3A_422 = arith.fptosi %broadcast_in_dim3A_421 : vector<1x576xf32> to vector<1x576xi32>
    %swap3A_423 = arith.constant 7 : index
    %swap3A_424 = arith.constant 0 : index
    %swap3A_425 = vector.load %arg5[%swap3A_423, %swap3A_424] : memref<16x576xi32, #tpu.memory_space<vmem>>, vector<1x576xi32>
    tpu.vector_store %arg5[%swap3A_423, %swap3A_424], %convert_element_type3A_422 {strides = array<i32>} : memref<16x576xi32, #tpu.memory_space<vmem>>, vector<1x576xi32>,
    %mul3A_426 = arith.mulf %broadcast_in_dim3A_413, %broadcast_in_dim3A_413 : vector<1x576xf32>
    %reduce_sum3A_427 = vector.shape_cast %mul3A_426 : vector<1x576xf32> to vector<1x1x576xf32>
    %reduce_sum3A_428 = arith.constant dense<0.000000e+00> : vector<1xf32>
    %reduce_sum3A_429 = vector.multi_reduction <add>, %reduce_sum3A_427, %reduce_sum3A_428 [1, 2] : vector<1x1x576xf32> to vector<1xf32>
    %reduce_sum3A_430 = vector.shape_cast %reduce_sum3A_429 : vector<1xf32> to vector<1x1x1xf32>
    %reduce_sum3A_431 = vector.extract %reduce_sum3A_430[0, 0, 0] : f32 from vector<1x1x1xf32>
    %add3A_432 = arith.addf %add3A_376, %reduce_sum3A_431 : f32
    %get3A_433 = arith.constant 0 : index
    %get3A_434 = arith.constant 0 : index
    %get3A_435 = vector.load %arg3[%get3A_433, %get3A_434] : memref<64x1024xf32, #tpu.memory_space<vmem>>, vector<64x1024xf32>
    %get3A_436 = arith.constant 8 : index
    %get3A_437 = arith.constant 0 : index
    %get3A_438 = arith.constant 0 : index
    %get3A_439 = vector.load %arg1[%get3A_436, %get3A_437, %get3A_438] : memref<16x64x576xf32, #tpu.memory_space<vmem>>, vector<1x64x576xf32>
    %get3A_440 = vector.shape_cast %get3A_439 : vector<1x64x576xf32> to vector<64x576xf32>
    %dot_general3A_441 = arith.constant dense<0.000000e+00> : vector<1024x576xf32>
    %dot_general3A_442 = tpu.matmul %get3A_435, %get3A_440, %dot_general3A_441 {dimension_numbers = #tpu.dot_dimension_numbers<[0], [0], [1], [1], [0, 1, 1, 1], [], []>, transpose_lhs_hint = false} : vector<64x1024xf32>, vector<64x576xf32>, vector<1024x576xf32> -> vector<1024x576xf32>
    %get3A_443 = arith.constant 8 : index
    %get3A_444 = arith.constant 0 : index
    %get3A_445 = vector.load %arg2[%get3A_443, %get3A_444] : memref<16x576xf32, #tpu.memory_space<vmem>>, vector<1x576xf32>
    %mul3A_446 = arith.constant 2.000000e+00 : f32
    %mul3A_447 = vector.broadcast %mul3A_446 : f32 to vector<1024x576xf32>
    %mul3A_448 = arith.mulf %mul3A_447, %dot_general3A_442 : vector<1024x576xf32>
    %sub3A_449 = vector.broadcast %get3A_445 : vector<1x576xf32> to vector<1024x576xf32>
    %sub3A_450 = arith.subf %sub3A_449, %mul3A_448 : vector<1024x576xf32>
    %get3A_451 = arith.constant 0 : index
    %get3A_452 = arith.constant 0 : index
    %get3A_453 = vector.load %arg4[%get3A_451, %get3A_452] : memref<1024x1xf32, #tpu.memory_space<vmem>>, vector<1024x1xf32>
    %add3A_454 = vector.broadcast %get3A_453 : vector<1024x1xf32> to vector<1024x576xf32>
    %add3A_455 = arith.addf %sub3A_450, %add3A_454 : vector<1024x576xf32>
    %max3A_456 = arith.constant 0.000000e+00 : f32
    %max3A_457 = vector.broadcast %max3A_456 : f32 to vector<1024x576xf32>
    %max3A_458 = arith.maximumf %add3A_455, %max3A_457 : vector<1024x576xf32>
    %eq3A_459 = arith.constant 0.000000e+00 : f32
    %eq3A_460 = vector.broadcast %eq3A_459 : f32 to vector<1024x576xf32>
    %eq3A_461 = arith.cmpf oeq, %max3A_458, %eq3A_460 : vector<1024x576xf32>
    %rsqrt3A_462 = math.rsqrt %max3A_458 : vector<1024x576xf32>
    %mul3A_463 = arith.mulf %max3A_458, %rsqrt3A_462 : vector<1024x576xf32>
    %jit3A_464 = arith.constant 0.000000e+00 : f32
    %broadcast_in_dim3A_465 = vector.broadcast %jit3A_464 : f32 to vector<1024x576xf32>
    %select_n3A_466 = arith.select %eq3A_461, %broadcast_in_dim3A_465, %mul3A_463 : vector<1024x576xi1>, vector<1024x576xf32>
    %reduce_min3A_467 = arith.constant dense<0x7F800000> : vector<576xf32>
    %reduce_min3A_468 = vector.multi_reduction <minimumf>, %select_n3A_466, %reduce_min3A_467 [0] : vector<1024x576xf32> to vector<576xf32>
    %broadcast_in_dim3A_469 = vector.shape_cast %reduce_min3A_468 : vector<576xf32> to vector<1x576xf32>
    %eq3A_470 = vector.broadcast %broadcast_in_dim3A_469 : vector<1x576xf32> to vector<1024x576xf32>
    %eq3A_471 = arith.cmpf oeq, %select_n3A_466, %eq3A_470 : vector<1024x576xf32>
    %jit3A_472 = arith.constant 1.024000e+03 : f32
    %broadcast_in_dim3A_473 = vector.broadcast %jit3A_472 : f32 to vector<1024x576xf32>
    %select_n3A_474 = arith.select %eq3A_471, %convert_element_type3A, %broadcast_in_dim3A_473 : vector<1024x576xi1>, vector<1024x576xf32>
    %reduce_min3A_475 = arith.constant dense<0x7F800000> : vector<576xf32>
    %reduce_min3A_476 = vector.multi_reduction <minimumf>, %select_n3A_474, %reduce_min3A_475 [0] : vector<1024x576xf32> to vector<576xf32>
    %broadcast_in_dim3A_477 = vector.shape_cast %reduce_min3A_476 : vector<576xf32> to vector<1x576xf32>
    %convert_element_type3A_478 = arith.fptosi %broadcast_in_dim3A_477 : vector<1x576xf32> to vector<1x576xi32>
    %swap3A_479 = arith.constant 8 : index
    %swap3A_480 = arith.constant 0 : index
    %swap3A_481 = vector.load %arg5[%swap3A_479, %swap3A_480] : memref<16x576xi32, #tpu.memory_space<vmem>>, vector<1x576xi32>
    tpu.vector_store %arg5[%swap3A_479, %swap3A_480], %convert_element_type3A_478 {strides = array<i32>} : memref<16x576xi32, #tpu.memory_space<vmem>>, vector<1x576xi32>,
    %mul3A_482 = arith.mulf %broadcast_in_dim3A_469, %broadcast_in_dim3A_469 : vector<1x576xf32>
    %reduce_sum3A_483 = vector.shape_cast %mul3A_482 : vector<1x576xf32> to vector<1x1x576xf32>
    %reduce_sum3A_484 = arith.constant dense<0.000000e+00> : vector<1xf32>
    %reduce_sum3A_485 = vector.multi_reduction <add>, %reduce_sum3A_483, %reduce_sum3A_484 [1, 2] : vector<1x1x576xf32> to vector<1xf32>
    %reduce_sum3A_486 = vector.shape_cast %reduce_sum3A_485 : vector<1xf32> to vector<1x1x1xf32>
    %reduce_sum3A_487 = vector.extract %reduce_sum3A_486[0, 0, 0] : f32 from vector<1x1x1xf32>
    %add3A_488 = arith.addf %add3A_432, %reduce_sum3A_487 : f32
    %get3A_489 = arith.constant 0 : index
    %get3A_490 = arith.constant 0 : index
    %get3A_491 = vector.load %arg3[%get3A_489, %get3A_490] : memref<64x1024xf32, #tpu.memory_space<vmem>>, vector<64x1024xf32>
    %get3A_492 = arith.constant 9 : index
    %get3A_493 = arith.constant 0 : index
    %get3A_494 = arith.constant 0 : index
    %get3A_495 = vector.load %arg1[%get3A_492, %get3A_493, %get3A_494] : memref<16x64x576xf32, #tpu.memory_space<vmem>>, vector<1x64x576xf32>
    %get3A_496 = vector.shape_cast %get3A_495 : vector<1x64x576xf32> to vector<64x576xf32>
    %dot_general3A_497 = arith.constant dense<0.000000e+00> : vector<1024x576xf32>
    %dot_general3A_498 = tpu.matmul %get3A_491, %get3A_496, %dot_general3A_497 {dimension_numbers = #tpu.dot_dimension_numbers<[0], [0], [1], [1], [0, 1, 1, 1], [], []>, transpose_lhs_hint = false} : vector<64x1024xf32>, vector<64x576xf32>, vector<1024x576xf32> -> vector<1024x576xf32>
    %get3A_499 = arith.constant 9 : index
    %get3A_500 = arith.constant 0 : index
    %get3A_501 = vector.load %arg2[%get3A_499, %get3A_500] : memref<16x576xf32, #tpu.memory_space<vmem>>, vector<1x576xf32>
    %mul3A_502 = arith.constant 2.000000e+00 : f32
    %mul3A_503 = vector.broadcast %mul3A_502 : f32 to vector<1024x576xf32>
    %mul3A_504 = arith.mulf %mul3A_503, %dot_general3A_498 : vector<1024x576xf32>
    %sub3A_505 = vector.broadcast %get3A_501 : vector<1x576xf32> to vector<1024x576xf32>
    %sub3A_506 = arith.subf %sub3A_505, %mul3A_504 : vector<1024x576xf32>
    %get3A_507 = arith.constant 0 : index
    %get3A_508 = arith.constant 0 : index
    %get3A_509 = vector.load %arg4[%get3A_507, %get3A_508] : memref<1024x1xf32, #tpu.memory_space<vmem>>, vector<1024x1xf32>
    %add3A_510 = vector.broadcast %get3A_509 : vector<1024x1xf32> to vector<1024x576xf32>
    %add3A_511 = arith.addf %sub3A_506, %add3A_510 : vector<1024x576xf32>
    %max3A_512 = arith.constant 0.000000e+00 : f32
    %max3A_513 = vector.broadcast %max3A_512 : f32 to vector<1024x576xf32>
    %max3A_514 = arith.maximumf %add3A_511, %max3A_513 : vector<1024x576xf32>
    %eq3A_515 = arith.constant 0.000000e+00 : f32
    %eq3A_516 = vector.broadcast %eq3A_515 : f32 to vector<1024x576xf32>
    %eq3A_517 = arith.cmpf oeq, %max3A_514, %eq3A_516 : vector<1024x576xf32>
    %rsqrt3A_518 = math.rsqrt %max3A_514 : vector<1024x576xf32>
    %mul3A_519 = arith.mulf %max3A_514, %rsqrt3A_518 : vector<1024x576xf32>
    %jit3A_520 = arith.constant 0.000000e+00 : f32
    %broadcast_in_dim3A_521 = vector.broadcast %jit3A_520 : f32 to vector<1024x576xf32>
    %select_n3A_522 = arith.select %eq3A_517, %broadcast_in_dim3A_521, %mul3A_519 : vector<1024x576xi1>, vector<1024x576xf32>
    %reduce_min3A_523 = arith.constant dense<0x7F800000> : vector<576xf32>
    %reduce_min3A_524 = vector.multi_reduction <minimumf>, %select_n3A_522, %reduce_min3A_523 [0] : vector<1024x576xf32> to vector<576xf32>
    %broadcast_in_dim3A_525 = vector.shape_cast %reduce_min3A_524 : vector<576xf32> to vector<1x576xf32>
    %eq3A_526 = vector.broadcast %broadcast_in_dim3A_525 : vector<1x576xf32> to vector<1024x576xf32>
    %eq3A_527 = arith.cmpf oeq, %select_n3A_522, %eq3A_526 : vector<1024x576xf32>
    %jit3A_528 = arith.constant 1.024000e+03 : f32
    %broadcast_in_dim3A_529 = vector.broadcast %jit3A_528 : f32 to vector<1024x576xf32>
    %select_n3A_530 = arith.select %eq3A_527, %convert_element_type3A, %broadcast_in_dim3A_529 : vector<1024x576xi1>, vector<1024x576xf32>
    %reduce_min3A_531 = arith.constant dense<0x7F800000> : vector<576xf32>
    %reduce_min3A_532 = vector.multi_reduction <minimumf>, %select_n3A_530, %reduce_min3A_531 [0] : vector<1024x576xf32> to vector<576xf32>
    %broadcast_in_dim3A_533 = vector.shape_cast %reduce_min3A_532 : vector<576xf32> to vector<1x576xf32>
    %convert_element_type3A_534 = arith.fptosi %broadcast_in_dim3A_533 : vector<1x576xf32> to vector<1x576xi32>
    %swap3A_535 = arith.constant 9 : index
    %swap3A_536 = arith.constant 0 : index
    %swap3A_537 = vector.load %arg5[%swap3A_535, %swap3A_536] : memref<16x576xi32, #tpu.memory_space<vmem>>, vector<1x576xi32>
    tpu.vector_store %arg5[%swap3A_535, %swap3A_536], %convert_element_type3A_534 {strides = array<i32>} : memref<16x576xi32, #tpu.memory_space<vmem>>, vector<1x576xi32>,
    %mul3A_538 = arith.mulf %broadcast_in_dim3A_525, %broadcast_in_dim3A_525 : vector<1x576xf32>
    %reduce_sum3A_539 = vector.shape_cast %mul3A_538 : vector<1x576xf32> to vector<1x1x576xf32>
    %reduce_sum3A_540 = arith.constant dense<0.000000e+00> : vector<1xf32>
    %reduce_sum3A_541 = vector.multi_reduction <add>, %reduce_sum3A_539, %reduce_sum3A_540 [1, 2] : vector<1x1x576xf32> to vector<1xf32>
    %reduce_sum3A_542 = vector.shape_cast %reduce_sum3A_541 : vector<1xf32> to vector<1x1x1xf32>
    %reduce_sum3A_543 = vector.extract %reduce_sum3A_542[0, 0, 0] : f32 from vector<1x1x1xf32>
    %add3A_544 = arith.addf %add3A_488, %reduce_sum3A_543 : f32
    %get3A_545 = arith.constant 0 : index
    %get3A_546 = arith.constant 0 : index
    %get3A_547 = vector.load %arg3[%get3A_545, %get3A_546] : memref<64x1024xf32, #tpu.memory_space<vmem>>, vector<64x1024xf32>
    %get3A_548 = arith.constant 10 : index
    %get3A_549 = arith.constant 0 : index
    %get3A_550 = arith.constant 0 : index
    %get3A_551 = vector.load %arg1[%get3A_548, %get3A_549, %get3A_550] : memref<16x64x576xf32, #tpu.memory_space<vmem>>, vector<1x64x576xf32>
    %get3A_552 = vector.shape_cast %get3A_551 : vector<1x64x576xf32> to vector<64x576xf32>
    %dot_general3A_553 = arith.constant dense<0.000000e+00> : vector<1024x576xf32>
    %dot_general3A_554 = tpu.matmul %get3A_547, %get3A_552, %dot_general3A_553 {dimension_numbers = #tpu.dot_dimension_numbers<[0], [0], [1], [1], [0, 1, 1, 1], [], []>, transpose_lhs_hint = false} : vector<64x1024xf32>, vector<64x576xf32>, vector<1024x576xf32> -> vector<1024x576xf32>
    %get3A_555 = arith.constant 10 : index
    %get3A_556 = arith.constant 0 : index
    %get3A_557 = vector.load %arg2[%get3A_555, %get3A_556] : memref<16x576xf32, #tpu.memory_space<vmem>>, vector<1x576xf32>
    %mul3A_558 = arith.constant 2.000000e+00 : f32
    %mul3A_559 = vector.broadcast %mul3A_558 : f32 to vector<1024x576xf32>
    %mul3A_560 = arith.mulf %mul3A_559, %dot_general3A_554 : vector<1024x576xf32>
    %sub3A_561 = vector.broadcast %get3A_557 : vector<1x576xf32> to vector<1024x576xf32>
    %sub3A_562 = arith.subf %sub3A_561, %mul3A_560 : vector<1024x576xf32>
    %get3A_563 = arith.constant 0 : index
    %get3A_564 = arith.constant 0 : index
    %get3A_565 = vector.load %arg4[%get3A_563, %get3A_564] : memref<1024x1xf32, #tpu.memory_space<vmem>>, vector<1024x1xf32>
    %add3A_566 = vector.broadcast %get3A_565 : vector<1024x1xf32> to vector<1024x576xf32>
    %add3A_567 = arith.addf %sub3A_562, %add3A_566 : vector<1024x576xf32>
    %max3A_568 = arith.constant 0.000000e+00 : f32
    %max3A_569 = vector.broadcast %max3A_568 : f32 to vector<1024x576xf32>
    %max3A_570 = arith.maximumf %add3A_567, %max3A_569 : vector<1024x576xf32>
    %eq3A_571 = arith.constant 0.000000e+00 : f32
    %eq3A_572 = vector.broadcast %eq3A_571 : f32 to vector<1024x576xf32>
    %eq3A_573 = arith.cmpf oeq, %max3A_570, %eq3A_572 : vector<1024x576xf32>
    %rsqrt3A_574 = math.rsqrt %max3A_570 : vector<1024x576xf32>
    %mul3A_575 = arith.mulf %max3A_570, %rsqrt3A_574 : vector<1024x576xf32>
    %jit3A_576 = arith.constant 0.000000e+00 : f32
    %broadcast_in_dim3A_577 = vector.broadcast %jit3A_576 : f32 to vector<1024x576xf32>
    %select_n3A_578 = arith.select %eq3A_573, %broadcast_in_dim3A_577, %mul3A_575 : vector<1024x576xi1>, vector<1024x576xf32>
    %reduce_min3A_579 = arith.constant dense<0x7F800000> : vector<576xf32>
    %reduce_min3A_580 = vector.multi_reduction <minimumf>, %select_n3A_578, %reduce_min3A_579 [0] : vector<1024x576xf32> to vector<576xf32>
    %broadcast_in_dim3A_581 = vector.shape_cast %reduce_min3A_580 : vector<576xf32> to vector<1x576xf32>
    %eq3A_582 = vector.broadcast %broadcast_in_dim3A_581 : vector<1x576xf32> to vector<1024x576xf32>
    %eq3A_583 = arith.cmpf oeq, %select_n3A_578, %eq3A_582 : vector<1024x576xf32>
    %jit3A_584 = arith.constant 1.024000e+03 : f32
    %broadcast_in_dim3A_585 = vector.broadcast %jit3A_584 : f32 to vector<1024x576xf32>
    %select_n3A_586 = arith.select %eq3A_583, %convert_element_type3A, %broadcast_in_dim3A_585 : vector<1024x576xi1>, vector<1024x576xf32>
    %reduce_min3A_587 = arith.constant dense<0x7F800000> : vector<576xf32>
    %reduce_min3A_588 = vector.multi_reduction <minimumf>, %select_n3A_586, %reduce_min3A_587 [0] : vector<1024x576xf32> to vector<576xf32>
    %broadcast_in_dim3A_589 = vector.shape_cast %reduce_min3A_588 : vector<576xf32> to vector<1x576xf32>
    %convert_element_type3A_590 = arith.fptosi %broadcast_in_dim3A_589 : vector<1x576xf32> to vector<1x576xi32>
    %swap3A_591 = arith.constant 10 : index
    %swap3A_592 = arith.constant 0 : index
    %swap3A_593 = vector.load %arg5[%swap3A_591, %swap3A_592] : memref<16x576xi32, #tpu.memory_space<vmem>>, vector<1x576xi32>
    tpu.vector_store %arg5[%swap3A_591, %swap3A_592], %convert_element_type3A_590 {strides = array<i32>} : memref<16x576xi32, #tpu.memory_space<vmem>>, vector<1x576xi32>,
    %mul3A_594 = arith.mulf %broadcast_in_dim3A_581, %broadcast_in_dim3A_581 : vector<1x576xf32>
    %reduce_sum3A_595 = vector.shape_cast %mul3A_594 : vector<1x576xf32> to vector<1x1x576xf32>
    %reduce_sum3A_596 = arith.constant dense<0.000000e+00> : vector<1xf32>
    %reduce_sum3A_597 = vector.multi_reduction <add>, %reduce_sum3A_595, %reduce_sum3A_596 [1, 2] : vector<1x1x576xf32> to vector<1xf32>
    %reduce_sum3A_598 = vector.shape_cast %reduce_sum3A_597 : vector<1xf32> to vector<1x1x1xf32>
    %reduce_sum3A_599 = vector.extract %reduce_sum3A_598[0, 0, 0] : f32 from vector<1x1x1xf32>
    %add3A_600 = arith.addf %add3A_544, %reduce_sum3A_599 : f32
    %get3A_601 = arith.constant 0 : index
    %get3A_602 = arith.constant 0 : index
    %get3A_603 = vector.load %arg3[%get3A_601, %get3A_602] : memref<64x1024xf32, #tpu.memory_space<vmem>>, vector<64x1024xf32>
    %get3A_604 = arith.constant 11 : index
    %get3A_605 = arith.constant 0 : index
    %get3A_606 = arith.constant 0 : index
    %get3A_607 = vector.load %arg1[%get3A_604, %get3A_605, %get3A_606] : memref<16x64x576xf32, #tpu.memory_space<vmem>>, vector<1x64x576xf32>
    %get3A_608 = vector.shape_cast %get3A_607 : vector<1x64x576xf32> to vector<64x576xf32>
    %dot_general3A_609 = arith.constant dense<0.000000e+00> : vector<1024x576xf32>
    %dot_general3A_610 = tpu.matmul %get3A_603, %get3A_608, %dot_general3A_609 {dimension_numbers = #tpu.dot_dimension_numbers<[0], [0], [1], [1], [0, 1, 1, 1], [], []>, transpose_lhs_hint = false} : vector<64x1024xf32>, vector<64x576xf32>, vector<1024x576xf32> -> vector<1024x576xf32>
    %get3A_611 = arith.constant 11 : index
    %get3A_612 = arith.constant 0 : index
    %get3A_613 = vector.load %arg2[%get3A_611, %get3A_612] : memref<16x576xf32, #tpu.memory_space<vmem>>, vector<1x576xf32>
    %mul3A_614 = arith.constant 2.000000e+00 : f32
    %mul3A_615 = vector.broadcast %mul3A_614 : f32 to vector<1024x576xf32>
    %mul3A_616 = arith.mulf %mul3A_615, %dot_general3A_610 : vector<1024x576xf32>
    %sub3A_617 = vector.broadcast %get3A_613 : vector<1x576xf32> to vector<1024x576xf32>
    %sub3A_618 = arith.subf %sub3A_617, %mul3A_616 : vector<1024x576xf32>
    %get3A_619 = arith.constant 0 : index
    %get3A_620 = arith.constant 0 : index
    %get3A_621 = vector.load %arg4[%get3A_619, %get3A_620] : memref<1024x1xf32, #tpu.memory_space<vmem>>, vector<1024x1xf32>
    %add3A_622 = vector.broadcast %get3A_621 : vector<1024x1xf32> to vector<1024x576xf32>
    %add3A_623 = arith.addf %sub3A_618, %add3A_622 : vector<1024x576xf32>
    %max3A_624 = arith.constant 0.000000e+00 : f32
    %max3A_625 = vector.broadcast %max3A_624 : f32 to vector<1024x576xf32>
    %max3A_626 = arith.maximumf %add3A_623, %max3A_625 : vector<1024x576xf32>
    %eq3A_627 = arith.constant 0.000000e+00 : f32
    %eq3A_628 = vector.broadcast %eq3A_627 : f32 to vector<1024x576xf32>
    %eq3A_629 = arith.cmpf oeq, %max3A_626, %eq3A_628 : vector<1024x576xf32>
    %rsqrt3A_630 = math.rsqrt %max3A_626 : vector<1024x576xf32>
    %mul3A_631 = arith.mulf %max3A_626, %rsqrt3A_630 : vector<1024x576xf32>
    %jit3A_632 = arith.constant 0.000000e+00 : f32
    %broadcast_in_dim3A_633 = vector.broadcast %jit3A_632 : f32 to vector<1024x576xf32>
    %select_n3A_634 = arith.select %eq3A_629, %broadcast_in_dim3A_633, %mul3A_631 : vector<1024x576xi1>, vector<1024x576xf32>
    %reduce_min3A_635 = arith.constant dense<0x7F800000> : vector<576xf32>
    %reduce_min3A_636 = vector.multi_reduction <minimumf>, %select_n3A_634, %reduce_min3A_635 [0] : vector<1024x576xf32> to vector<576xf32>
    %broadcast_in_dim3A_637 = vector.shape_cast %reduce_min3A_636 : vector<576xf32> to vector<1x576xf32>
    %eq3A_638 = vector.broadcast %broadcast_in_dim3A_637 : vector<1x576xf32> to vector<1024x576xf32>
    %eq3A_639 = arith.cmpf oeq, %select_n3A_634, %eq3A_638 : vector<1024x576xf32>
    %jit3A_640 = arith.constant 1.024000e+03 : f32
    %broadcast_in_dim3A_641 = vector.broadcast %jit3A_640 : f32 to vector<1024x576xf32>
    %select_n3A_642 = arith.select %eq3A_639, %convert_element_type3A, %broadcast_in_dim3A_641 : vector<1024x576xi1>, vector<1024x576xf32>
    %reduce_min3A_643 = arith.constant dense<0x7F800000> : vector<576xf32>
    %reduce_min3A_644 = vector.multi_reduction <minimumf>, %select_n3A_642, %reduce_min3A_643 [0] : vector<1024x576xf32> to vector<576xf32>
    %broadcast_in_dim3A_645 = vector.shape_cast %reduce_min3A_644 : vector<576xf32> to vector<1x576xf32>
    %convert_element_type3A_646 = arith.fptosi %broadcast_in_dim3A_645 : vector<1x576xf32> to vector<1x576xi32>
    %swap3A_647 = arith.constant 11 : index
    %swap3A_648 = arith.constant 0 : index
    %swap3A_649 = vector.load %arg5[%swap3A_647, %swap3A_648] : memref<16x576xi32, #tpu.memory_space<vmem>>, vector<1x576xi32>
    tpu.vector_store %arg5[%swap3A_647, %swap3A_648], %convert_element_type3A_646 {strides = array<i32>} : memref<16x576xi32, #tpu.memory_space<vmem>>, vector<1x576xi32>,
    %mul3A_650 = arith.mulf %broadcast_in_dim3A_637, %broadcast_in_dim3A_637 : vector<1x576xf32>
    %reduce_sum3A_651 = vector.shape_cast %mul3A_650 : vector<1x576xf32> to vector<1x1x576xf32>
    %reduce_sum3A_652 = arith.constant dense<0.000000e+00> : vector<1xf32>
    %reduce_sum3A_653 = vector.multi_reduction <add>, %reduce_sum3A_651, %reduce_sum3A_652 [1, 2] : vector<1x1x576xf32> to vector<1xf32>
    %reduce_sum3A_654 = vector.shape_cast %reduce_sum3A_653 : vector<1xf32> to vector<1x1x1xf32>
    %reduce_sum3A_655 = vector.extract %reduce_sum3A_654[0, 0, 0] : f32 from vector<1x1x1xf32>
    %add3A_656 = arith.addf %add3A_600, %reduce_sum3A_655 : f32
    %get3A_657 = arith.constant 0 : index
    %get3A_658 = arith.constant 0 : index
    %get3A_659 = vector.load %arg3[%get3A_657, %get3A_658] : memref<64x1024xf32, #tpu.memory_space<vmem>>, vector<64x1024xf32>
    %get3A_660 = arith.constant 12 : index
    %get3A_661 = arith.constant 0 : index
    %get3A_662 = arith.constant 0 : index
    %get3A_663 = vector.load %arg1[%get3A_660, %get3A_661, %get3A_662] : memref<16x64x576xf32, #tpu.memory_space<vmem>>, vector<1x64x576xf32>
    %get3A_664 = vector.shape_cast %get3A_663 : vector<1x64x576xf32> to vector<64x576xf32>
    %dot_general3A_665 = arith.constant dense<0.000000e+00> : vector<1024x576xf32>
    %dot_general3A_666 = tpu.matmul %get3A_659, %get3A_664, %dot_general3A_665 {dimension_numbers = #tpu.dot_dimension_numbers<[0], [0], [1], [1], [0, 1, 1, 1], [], []>, transpose_lhs_hint = false} : vector<64x1024xf32>, vector<64x576xf32>, vector<1024x576xf32> -> vector<1024x576xf32>
    %get3A_667 = arith.constant 12 : index
    %get3A_668 = arith.constant 0 : index
    %get3A_669 = vector.load %arg2[%get3A_667, %get3A_668] : memref<16x576xf32, #tpu.memory_space<vmem>>, vector<1x576xf32>
    %mul3A_670 = arith.constant 2.000000e+00 : f32
    %mul3A_671 = vector.broadcast %mul3A_670 : f32 to vector<1024x576xf32>
    %mul3A_672 = arith.mulf %mul3A_671, %dot_general3A_666 : vector<1024x576xf32>
    %sub3A_673 = vector.broadcast %get3A_669 : vector<1x576xf32> to vector<1024x576xf32>
    %sub3A_674 = arith.subf %sub3A_673, %mul3A_672 : vector<1024x576xf32>
    %get3A_675 = arith.constant 0 : index
    %get3A_676 = arith.constant 0 : index
    %get3A_677 = vector.load %arg4[%get3A_675, %get3A_676] : memref<1024x1xf32, #tpu.memory_space<vmem>>, vector<1024x1xf32>
    %add3A_678 = vector.broadcast %get3A_677 : vector<1024x1xf32> to vector<1024x576xf32>
    %add3A_679 = arith.addf %sub3A_674, %add3A_678 : vector<1024x576xf32>
    %max3A_680 = arith.constant 0.000000e+00 : f32
    %max3A_681 = vector.broadcast %max3A_680 : f32 to vector<1024x576xf32>
    %max3A_682 = arith.maximumf %add3A_679, %max3A_681 : vector<1024x576xf32>
    %eq3A_683 = arith.constant 0.000000e+00 : f32
    %eq3A_684 = vector.broadcast %eq3A_683 : f32 to vector<1024x576xf32>
    %eq3A_685 = arith.cmpf oeq, %max3A_682, %eq3A_684 : vector<1024x576xf32>
    %rsqrt3A_686 = math.rsqrt %max3A_682 : vector<1024x576xf32>
    %mul3A_687 = arith.mulf %max3A_682, %rsqrt3A_686 : vector<1024x576xf32>
    %jit3A_688 = arith.constant 0.000000e+00 : f32
    %broadcast_in_dim3A_689 = vector.broadcast %jit3A_688 : f32 to vector<1024x576xf32>
    %select_n3A_690 = arith.select %eq3A_685, %broadcast_in_dim3A_689, %mul3A_687 : vector<1024x576xi1>, vector<1024x576xf32>
    %reduce_min3A_691 = arith.constant dense<0x7F800000> : vector<576xf32>
    %reduce_min3A_692 = vector.multi_reduction <minimumf>, %select_n3A_690, %reduce_min3A_691 [0] : vector<1024x576xf32> to vector<576xf32>
    %broadcast_in_dim3A_693 = vector.shape_cast %reduce_min3A_692 : vector<576xf32> to vector<1x576xf32>
    %eq3A_694 = vector.broadcast %broadcast_in_dim3A_693 : vector<1x576xf32> to vector<1024x576xf32>
    %eq3A_695 = arith.cmpf oeq, %select_n3A_690, %eq3A_694 : vector<1024x576xf32>
    %jit3A_696 = arith.constant 1.024000e+03 : f32
    %broadcast_in_dim3A_697 = vector.broadcast %jit3A_696 : f32 to vector<1024x576xf32>
    %select_n3A_698 = arith.select %eq3A_695, %convert_element_type3A, %broadcast_in_dim3A_697 : vector<1024x576xi1>, vector<1024x576xf32>
    %reduce_min3A_699 = arith.constant dense<0x7F800000> : vector<576xf32>
    %reduce_min3A_700 = vector.multi_reduction <minimumf>, %select_n3A_698, %reduce_min3A_699 [0] : vector<1024x576xf32> to vector<576xf32>
    %broadcast_in_dim3A_701 = vector.shape_cast %reduce_min3A_700 : vector<576xf32> to vector<1x576xf32>
    %convert_element_type3A_702 = arith.fptosi %broadcast_in_dim3A_701 : vector<1x576xf32> to vector<1x576xi32>
    %swap3A_703 = arith.constant 12 : index
    %swap3A_704 = arith.constant 0 : index
    %swap3A_705 = vector.load %arg5[%swap3A_703, %swap3A_704] : memref<16x576xi32, #tpu.memory_space<vmem>>, vector<1x576xi32>
    tpu.vector_store %arg5[%swap3A_703, %swap3A_704], %convert_element_type3A_702 {strides = array<i32>} : memref<16x576xi32, #tpu.memory_space<vmem>>, vector<1x576xi32>,
    %mul3A_706 = arith.mulf %broadcast_in_dim3A_693, %broadcast_in_dim3A_693 : vector<1x576xf32>
    %reduce_sum3A_707 = vector.shape_cast %mul3A_706 : vector<1x576xf32> to vector<1x1x576xf32>
    %reduce_sum3A_708 = arith.constant dense<0.000000e+00> : vector<1xf32>
    %reduce_sum3A_709 = vector.multi_reduction <add>, %reduce_sum3A_707, %reduce_sum3A_708 [1, 2] : vector<1x1x576xf32> to vector<1xf32>
    %reduce_sum3A_710 = vector.shape_cast %reduce_sum3A_709 : vector<1xf32> to vector<1x1x1xf32>
    %reduce_sum3A_711 = vector.extract %reduce_sum3A_710[0, 0, 0] : f32 from vector<1x1x1xf32>
    %add3A_712 = arith.addf %add3A_656, %reduce_sum3A_711 : f32
    %get3A_713 = arith.constant 0 : index
    %get3A_714 = arith.constant 0 : index
    %get3A_715 = vector.load %arg3[%get3A_713, %get3A_714] : memref<64x1024xf32, #tpu.memory_space<vmem>>, vector<64x1024xf32>
    %get3A_716 = arith.constant 13 : index
    %get3A_717 = arith.constant 0 : index
    %get3A_718 = arith.constant 0 : index
    %get3A_719 = vector.load %arg1[%get3A_716, %get3A_717, %get3A_718] : memref<16x64x576xf32, #tpu.memory_space<vmem>>, vector<1x64x576xf32>
    %get3A_720 = vector.shape_cast %get3A_719 : vector<1x64x576xf32> to vector<64x576xf32>
    %dot_general3A_721 = arith.constant dense<0.000000e+00> : vector<1024x576xf32>
    %dot_general3A_722 = tpu.matmul %get3A_715, %get3A_720, %dot_general3A_721 {dimension_numbers = #tpu.dot_dimension_numbers<[0], [0], [1], [1], [0, 1, 1, 1], [], []>, transpose_lhs_hint = false} : vector<64x1024xf32>, vector<64x576xf32>, vector<1024x576xf32> -> vector<1024x576xf32>
    %get3A_723 = arith.constant 13 : index
    %get3A_724 = arith.constant 0 : index
    %get3A_725 = vector.load %arg2[%get3A_723, %get3A_724] : memref<16x576xf32, #tpu.memory_space<vmem>>, vector<1x576xf32>
    %mul3A_726 = arith.constant 2.000000e+00 : f32
    %mul3A_727 = vector.broadcast %mul3A_726 : f32 to vector<1024x576xf32>
    %mul3A_728 = arith.mulf %mul3A_727, %dot_general3A_722 : vector<1024x576xf32>
    %sub3A_729 = vector.broadcast %get3A_725 : vector<1x576xf32> to vector<1024x576xf32>
    %sub3A_730 = arith.subf %sub3A_729, %mul3A_728 : vector<1024x576xf32>
    %get3A_731 = arith.constant 0 : index
    %get3A_732 = arith.constant 0 : index
    %get3A_733 = vector.load %arg4[%get3A_731, %get3A_732] : memref<1024x1xf32, #tpu.memory_space<vmem>>, vector<1024x1xf32>
    %add3A_734 = vector.broadcast %get3A_733 : vector<1024x1xf32> to vector<1024x576xf32>
    %add3A_735 = arith.addf %sub3A_730, %add3A_734 : vector<1024x576xf32>
    %max3A_736 = arith.constant 0.000000e+00 : f32
    %max3A_737 = vector.broadcast %max3A_736 : f32 to vector<1024x576xf32>
    %max3A_738 = arith.maximumf %add3A_735, %max3A_737 : vector<1024x576xf32>
    %eq3A_739 = arith.constant 0.000000e+00 : f32
    %eq3A_740 = vector.broadcast %eq3A_739 : f32 to vector<1024x576xf32>
    %eq3A_741 = arith.cmpf oeq, %max3A_738, %eq3A_740 : vector<1024x576xf32>
    %rsqrt3A_742 = math.rsqrt %max3A_738 : vector<1024x576xf32>
    %mul3A_743 = arith.mulf %max3A_738, %rsqrt3A_742 : vector<1024x576xf32>
    %jit3A_744 = arith.constant 0.000000e+00 : f32
    %broadcast_in_dim3A_745 = vector.broadcast %jit3A_744 : f32 to vector<1024x576xf32>
    %select_n3A_746 = arith.select %eq3A_741, %broadcast_in_dim3A_745, %mul3A_743 : vector<1024x576xi1>, vector<1024x576xf32>
    %reduce_min3A_747 = arith.constant dense<0x7F800000> : vector<576xf32>
    %reduce_min3A_748 = vector.multi_reduction <minimumf>, %select_n3A_746, %reduce_min3A_747 [0] : vector<1024x576xf32> to vector<576xf32>
    %broadcast_in_dim3A_749 = vector.shape_cast %reduce_min3A_748 : vector<576xf32> to vector<1x576xf32>
    %eq3A_750 = vector.broadcast %broadcast_in_dim3A_749 : vector<1x576xf32> to vector<1024x576xf32>
    %eq3A_751 = arith.cmpf oeq, %select_n3A_746, %eq3A_750 : vector<1024x576xf32>
    %jit3A_752 = arith.constant 1.024000e+03 : f32
    %broadcast_in_dim3A_753 = vector.broadcast %jit3A_752 : f32 to vector<1024x576xf32>
    %select_n3A_754 = arith.select %eq3A_751, %convert_element_type3A, %broadcast_in_dim3A_753 : vector<1024x576xi1>, vector<1024x576xf32>
    %reduce_min3A_755 = arith.constant dense<0x7F800000> : vector<576xf32>
    %reduce_min3A_756 = vector.multi_reduction <minimumf>, %select_n3A_754, %reduce_min3A_755 [0] : vector<1024x576xf32> to vector<576xf32>
    %broadcast_in_dim3A_757 = vector.shape_cast %reduce_min3A_756 : vector<576xf32> to vector<1x576xf32>
    %convert_element_type3A_758 = arith.fptosi %broadcast_in_dim3A_757 : vector<1x576xf32> to vector<1x576xi32>
    %swap3A_759 = arith.constant 13 : index
    %swap3A_760 = arith.constant 0 : index
    %swap3A_761 = vector.load %arg5[%swap3A_759, %swap3A_760] : memref<16x576xi32, #tpu.memory_space<vmem>>, vector<1x576xi32>
    tpu.vector_store %arg5[%swap3A_759, %swap3A_760], %convert_element_type3A_758 {strides = array<i32>} : memref<16x576xi32, #tpu.memory_space<vmem>>, vector<1x576xi32>,
    %mul3A_762 = arith.mulf %broadcast_in_dim3A_749, %broadcast_in_dim3A_749 : vector<1x576xf32>
    %reduce_sum3A_763 = vector.shape_cast %mul3A_762 : vector<1x576xf32> to vector<1x1x576xf32>
    %reduce_sum3A_764 = arith.constant dense<0.000000e+00> : vector<1xf32>
    %reduce_sum3A_765 = vector.multi_reduction <add>, %reduce_sum3A_763, %reduce_sum3A_764 [1, 2] : vector<1x1x576xf32> to vector<1xf32>
    %reduce_sum3A_766 = vector.shape_cast %reduce_sum3A_765 : vector<1xf32> to vector<1x1x1xf32>
    %reduce_sum3A_767 = vector.extract %reduce_sum3A_766[0, 0, 0] : f32 from vector<1x1x1xf32>
    %add3A_768 = arith.addf %add3A_712, %reduce_sum3A_767 : f32
    %get3A_769 = arith.constant 0 : index
    %get3A_770 = arith.constant 0 : index
    %get3A_771 = vector.load %arg3[%get3A_769, %get3A_770] : memref<64x1024xf32, #tpu.memory_space<vmem>>, vector<64x1024xf32>
    %get3A_772 = arith.constant 14 : index
    %get3A_773 = arith.constant 0 : index
    %get3A_774 = arith.constant 0 : index
    %get3A_775 = vector.load %arg1[%get3A_772, %get3A_773, %get3A_774] : memref<16x64x576xf32, #tpu.memory_space<vmem>>, vector<1x64x576xf32>
    %get3A_776 = vector.shape_cast %get3A_775 : vector<1x64x576xf32> to vector<64x576xf32>
    %dot_general3A_777 = arith.constant dense<0.000000e+00> : vector<1024x576xf32>
    %dot_general3A_778 = tpu.matmul %get3A_771, %get3A_776, %dot_general3A_777 {dimension_numbers = #tpu.dot_dimension_numbers<[0], [0], [1], [1], [0, 1, 1, 1], [], []>, transpose_lhs_hint = false} : vector<64x1024xf32>, vector<64x576xf32>, vector<1024x576xf32> -> vector<1024x576xf32>
    %get3A_779 = arith.constant 14 : index
    %get3A_780 = arith.constant 0 : index
    %get3A_781 = vector.load %arg2[%get3A_779, %get3A_780] : memref<16x576xf32, #tpu.memory_space<vmem>>, vector<1x576xf32>
    %mul3A_782 = arith.constant 2.000000e+00 : f32
    %mul3A_783 = vector.broadcast %mul3A_782 : f32 to vector<1024x576xf32>
    %mul3A_784 = arith.mulf %mul3A_783, %dot_general3A_778 : vector<1024x576xf32>
    %sub3A_785 = vector.broadcast %get3A_781 : vector<1x576xf32> to vector<1024x576xf32>
    %sub3A_786 = arith.subf %sub3A_785, %mul3A_784 : vector<1024x576xf32>
    %get3A_787 = arith.constant 0 : index
    %get3A_788 = arith.constant 0 : index
    %get3A_789 = vector.load %arg4[%get3A_787, %get3A_788] : memref<1024x1xf32, #tpu.memory_space<vmem>>, vector<1024x1xf32>
    %add3A_790 = vector.broadcast %get3A_789 : vector<1024x1xf32> to vector<1024x576xf32>
    %add3A_791 = arith.addf %sub3A_786, %add3A_790 : vector<1024x576xf32>
    %max3A_792 = arith.constant 0.000000e+00 : f32
    %max3A_793 = vector.broadcast %max3A_792 : f32 to vector<1024x576xf32>
    %max3A_794 = arith.maximumf %add3A_791, %max3A_793 : vector<1024x576xf32>
    %eq3A_795 = arith.constant 0.000000e+00 : f32
    %eq3A_796 = vector.broadcast %eq3A_795 : f32 to vector<1024x576xf32>
    %eq3A_797 = arith.cmpf oeq, %max3A_794, %eq3A_796 : vector<1024x576xf32>
    %rsqrt3A_798 = math.rsqrt %max3A_794 : vector<1024x576xf32>
    %mul3A_799 = arith.mulf %max3A_794, %rsqrt3A_798 : vector<1024x576xf32>
    %jit3A_800 = arith.constant 0.000000e+00 : f32
    %broadcast_in_dim3A_801 = vector.broadcast %jit3A_800 : f32 to vector<1024x576xf32>
    %select_n3A_802 = arith.select %eq3A_797, %broadcast_in_dim3A_801, %mul3A_799 : vector<1024x576xi1>, vector<1024x576xf32>
    %reduce_min3A_803 = arith.constant dense<0x7F800000> : vector<576xf32>
    %reduce_min3A_804 = vector.multi_reduction <minimumf>, %select_n3A_802, %reduce_min3A_803 [0] : vector<1024x576xf32> to vector<576xf32>
    %broadcast_in_dim3A_805 = vector.shape_cast %reduce_min3A_804 : vector<576xf32> to vector<1x576xf32>
    %eq3A_806 = vector.broadcast %broadcast_in_dim3A_805 : vector<1x576xf32> to vector<1024x576xf32>
    %eq3A_807 = arith.cmpf oeq, %select_n3A_802, %eq3A_806 : vector<1024x576xf32>
    %jit3A_808 = arith.constant 1.024000e+03 : f32
    %broadcast_in_dim3A_809 = vector.broadcast %jit3A_808 : f32 to vector<1024x576xf32>
    %select_n3A_810 = arith.select %eq3A_807, %convert_element_type3A, %broadcast_in_dim3A_809 : vector<1024x576xi1>, vector<1024x576xf32>
    %reduce_min3A_811 = arith.constant dense<0x7F800000> : vector<576xf32>
    %reduce_min3A_812 = vector.multi_reduction <minimumf>, %select_n3A_810, %reduce_min3A_811 [0] : vector<1024x576xf32> to vector<576xf32>
    %broadcast_in_dim3A_813 = vector.shape_cast %reduce_min3A_812 : vector<576xf32> to vector<1x576xf32>
    %convert_element_type3A_814 = arith.fptosi %broadcast_in_dim3A_813 : vector<1x576xf32> to vector<1x576xi32>
    %swap3A_815 = arith.constant 14 : index
    %swap3A_816 = arith.constant 0 : index
    %swap3A_817 = vector.load %arg5[%swap3A_815, %swap3A_816] : memref<16x576xi32, #tpu.memory_space<vmem>>, vector<1x576xi32>
    tpu.vector_store %arg5[%swap3A_815, %swap3A_816], %convert_element_type3A_814 {strides = array<i32>} : memref<16x576xi32, #tpu.memory_space<vmem>>, vector<1x576xi32>,
    %mul3A_818 = arith.mulf %broadcast_in_dim3A_805, %broadcast_in_dim3A_805 : vector<1x576xf32>
    %reduce_sum3A_819 = vector.shape_cast %mul3A_818 : vector<1x576xf32> to vector<1x1x576xf32>
    %reduce_sum3A_820 = arith.constant dense<0.000000e+00> : vector<1xf32>
    %reduce_sum3A_821 = vector.multi_reduction <add>, %reduce_sum3A_819, %reduce_sum3A_820 [1, 2] : vector<1x1x576xf32> to vector<1xf32>
    %reduce_sum3A_822 = vector.shape_cast %reduce_sum3A_821 : vector<1xf32> to vector<1x1x1xf32>
    %reduce_sum3A_823 = vector.extract %reduce_sum3A_822[0, 0, 0] : f32 from vector<1x1x1xf32>
    %add3A_824 = arith.addf %add3A_768, %reduce_sum3A_823 : f32
    %get3A_825 = arith.constant 0 : index
    %get3A_826 = arith.constant 0 : index
    %get3A_827 = vector.load %arg3[%get3A_825, %get3A_826] : memref<64x1024xf32, #tpu.memory_space<vmem>>, vector<64x1024xf32>
    %get3A_828 = arith.constant 15 : index
    %get3A_829 = arith.constant 0 : index
    %get3A_830 = arith.constant 0 : index
    %get3A_831 = vector.load %arg1[%get3A_828, %get3A_829, %get3A_830] : memref<16x64x576xf32, #tpu.memory_space<vmem>>, vector<1x64x576xf32>
    %get3A_832 = vector.shape_cast %get3A_831 : vector<1x64x576xf32> to vector<64x576xf32>
    %dot_general3A_833 = arith.constant dense<0.000000e+00> : vector<1024x576xf32>
    %dot_general3A_834 = tpu.matmul %get3A_827, %get3A_832, %dot_general3A_833 {dimension_numbers = #tpu.dot_dimension_numbers<[0], [0], [1], [1], [0, 1, 1, 1], [], []>, transpose_lhs_hint = false} : vector<64x1024xf32>, vector<64x576xf32>, vector<1024x576xf32> -> vector<1024x576xf32>
    %get3A_835 = arith.constant 15 : index
    %get3A_836 = arith.constant 0 : index
    %get3A_837 = vector.load %arg2[%get3A_835, %get3A_836] : memref<16x576xf32, #tpu.memory_space<vmem>>, vector<1x576xf32>
    %mul3A_838 = arith.constant 2.000000e+00 : f32
    %mul3A_839 = vector.broadcast %mul3A_838 : f32 to vector<1024x576xf32>
    %mul3A_840 = arith.mulf %mul3A_839, %dot_general3A_834 : vector<1024x576xf32>
    %sub3A_841 = vector.broadcast %get3A_837 : vector<1x576xf32> to vector<1024x576xf32>
    %sub3A_842 = arith.subf %sub3A_841, %mul3A_840 : vector<1024x576xf32>
    %get3A_843 = arith.constant 0 : index
    %get3A_844 = arith.constant 0 : index
    %get3A_845 = vector.load %arg4[%get3A_843, %get3A_844] : memref<1024x1xf32, #tpu.memory_space<vmem>>, vector<1024x1xf32>
    %add3A_846 = vector.broadcast %get3A_845 : vector<1024x1xf32> to vector<1024x576xf32>
    %add3A_847 = arith.addf %sub3A_842, %add3A_846 : vector<1024x576xf32>
    %max3A_848 = arith.constant 0.000000e+00 : f32
    %max3A_849 = vector.broadcast %max3A_848 : f32 to vector<1024x576xf32>
    %max3A_850 = arith.maximumf %add3A_847, %max3A_849 : vector<1024x576xf32>
    %eq3A_851 = arith.constant 0.000000e+00 : f32
    %eq3A_852 = vector.broadcast %eq3A_851 : f32 to vector<1024x576xf32>
    %eq3A_853 = arith.cmpf oeq, %max3A_850, %eq3A_852 : vector<1024x576xf32>
    %rsqrt3A_854 = math.rsqrt %max3A_850 : vector<1024x576xf32>
    %mul3A_855 = arith.mulf %max3A_850, %rsqrt3A_854 : vector<1024x576xf32>
    %jit3A_856 = arith.constant 0.000000e+00 : f32
    %broadcast_in_dim3A_857 = vector.broadcast %jit3A_856 : f32 to vector<1024x576xf32>
    %select_n3A_858 = arith.select %eq3A_853, %broadcast_in_dim3A_857, %mul3A_855 : vector<1024x576xi1>, vector<1024x576xf32>
    %reduce_min3A_859 = arith.constant dense<0x7F800000> : vector<576xf32>
    %reduce_min3A_860 = vector.multi_reduction <minimumf>, %select_n3A_858, %reduce_min3A_859 [0] : vector<1024x576xf32> to vector<576xf32>
    %broadcast_in_dim3A_861 = vector.shape_cast %reduce_min3A_860 : vector<576xf32> to vector<1x576xf32>
    %eq3A_862 = vector.broadcast %broadcast_in_dim3A_861 : vector<1x576xf32> to vector<1024x576xf32>
    %eq3A_863 = arith.cmpf oeq, %select_n3A_858, %eq3A_862 : vector<1024x576xf32>
    %jit3A_864 = arith.constant 1.024000e+03 : f32
    %broadcast_in_dim3A_865 = vector.broadcast %jit3A_864 : f32 to vector<1024x576xf32>
    %select_n3A_866 = arith.select %eq3A_863, %convert_element_type3A, %broadcast_in_dim3A_865 : vector<1024x576xi1>, vector<1024x576xf32>
    %reduce_min3A_867 = arith.constant dense<0x7F800000> : vector<576xf32>
    %reduce_min3A_868 = vector.multi_reduction <minimumf>, %select_n3A_866, %reduce_min3A_867 [0] : vector<1024x576xf32> to vector<576xf32>
    %broadcast_in_dim3A_869 = vector.shape_cast %reduce_min3A_868 : vector<576xf32> to vector<1x576xf32>
    %convert_element_type3A_870 = arith.fptosi %broadcast_in_dim3A_869 : vector<1x576xf32> to vector<1x576xi32>
    %swap3A_871 = arith.constant 15 : index
    %swap3A_872 = arith.constant 0 : index
    %swap3A_873 = vector.load %arg5[%swap3A_871, %swap3A_872] : memref<16x576xi32, #tpu.memory_space<vmem>>, vector<1x576xi32>
    tpu.vector_store %arg5[%swap3A_871, %swap3A_872], %convert_element_type3A_870 {strides = array<i32>} : memref<16x576xi32, #tpu.memory_space<vmem>>, vector<1x576xi32>,
    %mul3A_874 = arith.mulf %broadcast_in_dim3A_861, %broadcast_in_dim3A_861 : vector<1x576xf32>
    %reduce_sum3A_875 = vector.shape_cast %mul3A_874 : vector<1x576xf32> to vector<1x1x576xf32>
    %reduce_sum3A_876 = arith.constant dense<0.000000e+00> : vector<1xf32>
    %reduce_sum3A_877 = vector.multi_reduction <add>, %reduce_sum3A_875, %reduce_sum3A_876 [1, 2] : vector<1x1x576xf32> to vector<1xf32>
    %reduce_sum3A_878 = vector.shape_cast %reduce_sum3A_877 : vector<1xf32> to vector<1x1x1xf32>
    %reduce_sum3A_879 = vector.extract %reduce_sum3A_878[0, 0, 0] : f32 from vector<1x1x1xf32>
    %add3A_880 = arith.addf %add3A_824, %reduce_sum3A_879 : f32
    %eq3A_881 = arith.constant 0 : i32
    %eq3A_882 = arith.cmpi eq, %arg0, %eq3A_881 : i32
    %convert_element_type3A_883 = arith.extui %eq3A_882 : i1 to i32
    %cond3A = arith.constant 0 : i32
    %cond3A_884 = arith.cmpi ne, %convert_element_type3A_883, %cond3A : i32
    scf.if %cond3A_884 {
      %broadcast_in_dim3A_889 = vector.broadcast %add3A_880 : f32 to vector<8x128xf32>
      %swap3A_890 = arith.constant 0 : index
      %swap3A_891 = arith.constant 0 : index
      %swap3A_892 = vector.load %arg6[%swap3A_890, %swap3A_891] : memref<8x128xf32, #tpu.memory_space<vmem>>, vector<8x128xf32>
      tpu.vector_store %arg6[%swap3A_890, %swap3A_891], %broadcast_in_dim3A_889 {strides = array<i32>} : memref<8x128xf32, #tpu.memory_space<vmem>>, vector<8x128xf32>,
    } else {
    }
    %gt3A = arith.constant 0 : i32
    %gt3A_885 = arith.cmpi sgt, %arg0, %gt3A : i32
    %convert_element_type3A_886 = arith.extui %gt3A_885 : i1 to i32
    %cond3A_887 = arith.constant 0 : i32
    %cond3A_888 = arith.cmpi ne, %convert_element_type3A_886, %cond3A_887 : i32
    scf.if %cond3A_888 {
      %get3A_889 = arith.constant 0 : index
      %get3A_890 = arith.constant 0 : index
      %get3A_891 = vector.load %arg6[%get3A_889, %get3A_890] : memref<8x128xf32, #tpu.memory_space<vmem>>, vector<8x128xf32>
      %add3A_892 = vector.broadcast %add3A_880 : f32 to vector<8x128xf32>
      %add3A_893 = arith.addf %get3A_891, %add3A_892 : vector<8x128xf32>
      %swap3A_894 = arith.constant 0 : index
      %swap3A_895 = arith.constant 0 : index
      %swap3A_896 = vector.load %arg6[%swap3A_894, %swap3A_895] : memref<8x128xf32, #tpu.memory_space<vmem>>, vector<8x128xf32>
      tpu.vector_store %arg6[%swap3A_894, %swap3A_895], %add3A_893 {strides = array<i32>} : memref<8x128xf32, #tpu.memory_space<vmem>>, vector<8x128xf32>,
    } else {
    }
    return
  }
  func.func @transform_0(%arg0: i32) -> (i32, i32, i32) {
    %c0_i32 = arith.constant 0 : i32
    %c0_i32_0 = arith.constant 0 : i32
    %c0_i32_1 = arith.constant 0 : i32
    return %arg0, %c0_i32, %c0_i32_0 : i32, i32, i32
  }
  func.func @transform_1(%arg0: i32) -> (i32, i32) {
    %c0_i32 = arith.constant 0 : i32
    %c0_i32_0 = arith.constant 0 : i32
    return %arg0, %c0_i32 : i32, i32
  }
  func.func @transform_2(%arg0: i32) -> (i32, i32) {
    %c0_i32 = arith.constant 0 : i32
    %c0_i32_0 = arith.constant 0 : i32
    %c0_i32_1 = arith.constant 0 : i32
    return %c0_i32, %c0_i32_0 : i32, i32
  }
  func.func @transform_3(%arg0: i32) -> (i32, i32) {
    %c0_i32 = arith.constant 0 : i32
    %c0_i32_0 = arith.constant 0 : i32
    %c0_i32_1 = arith.constant 0 : i32
    return %c0_i32, %c0_i32_0 : i32, i32
  }
  func.func @transform_4(%arg0: i32) -> (i32, i32) {
    %c0_i32 = arith.constant 0 : i32
    %c0_i32_0 = arith.constant 0 : i32
    return %arg0, %c0_i32 : i32, i32
  }
  func.func @transform_5(%arg0: i32) -> (i32, i32) {
    %c0_i32 = arith.constant 0 : i32
    %c0_i32_0 = arith.constant 0 : i32
    %c0_i32_1 = arith.constant 0 : i32
    return %c0_i32, %c0_i32_0 : i32, i32
  }
}

</mosaic_0001>

<sc_bundles>
// kernel: kernel.4.cloned.1.call-start
scs
__scs_entry_jumppad:
0x0: {  	(pc) =	sbr.rel $0x88, $3  }
0x1: {  	(tag) =	ssettag $0x0;
	lr =	simm.s32 $0x1  }
0x2: {  	[smem:$0x3F9F] =	sst lr;
	_ =	strace $0xD0000000  }
0x3: {  	_ = 	snop  }
0x4: {  	_ = 	snop  }
0x5: {  	_ = 	snop  }
0x6: {  	_ = 	snop  }
0x7: {  	_ = 	snop  }
__scs_overlays_trampoline_lowered:
0x8: {  	[smem:$0x3FAE] =	sst s0  }
0x9: {  	[smem:$0x3FAF] =	sst s1  }
0xa: {  	[smem:$0x3FB0] =	sst s2  }
0xb: {  	[smem:$0x3FB1] =	sst s3  }
0xc: {  	[smem:$0x3FB2] =	sst s4  }
0xd: {  	[smem:$0x3FB3] =	sst s5  }
0xe: {  	[smem:$0x3FB4] =	sst s6  }
0xf: {  	[smem:$0x3FB5] =	sst s7  }
0x10: {  	[smem:$0x3FB6] =	sst s8  }
0x11: {  	[smem:$0x3FB7] =	sst s9;
	s0 =	simm.s32 @!p0 $0x0  }
0x12: {  	s1 =	sld [smem:$0x3F9D];
	s0 =	simm.s32 @p0 $0x1  }
0x13: {  	[smem:$0x3FB8] =	sst s0;
	s0 =	simm.s32 @!p1 $0x0  }
0x14: {  	s2 =	sld [smem:$0x3F9C];
	s0 =	simm.s32 @p1 $0x1  }
0x15: {  	[smem:$0x3FB9] =	sst s0;
	s0 =	simm.s32 @!p2 $0x0  }
0x16: {  	s3 =	sld [smem:$0x3FDB];
	s0 =	simm.s32 @p2 $0x1  }
0x17: {  	s4 =	simm.s32 $0x1BF5;
	[smem:$0x3FBB] =	sst s0  }
0x18: {  	s0 =	sld [smem:$0x3F9E];
	_ =	swait.ge [sflag:s4], $0x0  }
0x19: {  	s7 =	sld [smem:$0x3F9F]  }
0x1a: {  	s8 =	sadd.s32 $0xFFFFE003, lr  }
0x1b: {  	s9 =	sadd.s32 $0xFFFFFEF7, lr;
	s5 =	simm.s32 $0xFFFFFFFF;
	p2 =	slt.u32 s8, $0xFFFFF086  }
0x1c: {  	p1 =	slt.u32 s9, $0xF7A;
	s5 =	simm.s32 @!p2 $0x0  }
0x1d: {  	s5 =	simm.s32 @p1 $0x1;
	p0 =	seq.s32 s7, s2  }
0x1e: {  	s7 =	smul.u32 @!p0 $0xF7A, s2;
	p2 =	seq.s32 @!p0 s5, $0x0  }
0x1f: {  	s9 =	smul.u32 $0xF7A, s1;
	s8 =	simm.s32 @!p0 $0x1BF5;
	p2 =	por !p2, p0  }
0x20: {  	[sflag:s8] =	ssyncset.s32 @!p0 $0xFFFFF086;
	s6 =	sadd.s32 @!p0 s3, s7;
	s7 =	simm.s32 @!p0 $0x108  }
0x21: {  	s3 =	sadd.s32 s3, s9;
	s6 =	sadd.s32 @!p0 $0x88, s6;
	s7 =	simm.s32 @p2 $0x1082  }
0x22: {  	[simem:s7], [sflag:s8] =	dma.local @!p0 [hbm:s6], $0xF7A  }
0x23: {  	s9 =	sor.u32 $0xD0000000, s2;
	s6 =	simm.s32 $0x108;
	_ =	swait.ge @!p0 [sflag:s8], $0x0  }
0x24: {  	s3 =	sadd.s32 $0x88, s3;
	s6 =	simm.s32 @!p1 $0x1082;
	[sflag:s4] =	ssyncset.s32 $0xFFFFF086  }
0x25: {  	[simem:s6], [sflag:s4] =	dma.local [hbm:s3], $0xF7A  }
0x26: {  	[smem:$0x3F9F] =	sst s1;
	(tag) =	ssettag s2;
	_ =	strace s9  }
0x27: {  	s1 =	sld [smem:$0x3FAF]  }
0x28: {  	s2 =	sld [smem:$0x3FB0]  }
0x29: {  	s4 =	sld [smem:$0x3FB2]  }
0x2a: {  	p0 =	seq.s32 s5, $0x0;
	s5 =	sld [smem:$0x3FB3]  }
0x2b: {  	s6 =	sld [smem:$0x3FB4]  }
0x2c: {  	s7 =	sld [smem:$0x3FB5]  }
0x2d: {  	s3 =	simm.s32 $0x108;
	s8 =	sld [smem:$0x3FB6]  }
0x2e: {  	s3 =	simm.s32 @!p0 $0x1082;
	s9 =	sld [smem:$0x3FB7]  }
0x2f: {  	lr =	sadd.s32 s0, s3;
	s0 =	sld [smem:$0x3FAE]  }
0x30: {  	s3 =	sld [smem:$0x3FB1]  }
0x31: {  	[smem:$0x3FBA] =	sst s10  }
0x32: {  	s10 =	sld [smem:$0x3FB8];
	_ =	sdelay $0x3  }
0x33: {  	p0 =	seq.s32 s10, $0x1;
	s10 =	sld [smem:$0x3FBA];
	_ =	sdelay $0x3  }
0x34: {  	[smem:$0x3FBA] =	sst s10  }
0x35: {  	s10 =	sld [smem:$0x3FB9];
	_ =	sdelay $0x3  }
0x36: {  	p1 =	seq.s32 s10, $0x1;
	s10 =	sld [smem:$0x3FBA];
	_ =	sdelay $0x3  }
0x37: {  	[smem:$0x3FBA] =	sst s10  }
0x38: {  	s10 =	sld [smem:$0x3FBB]  }
0x39: {  	_ = 	snop;
	(pc) =	sbr.ind lr, $3  }
0x3a: {  	_ = 	snop  }
0x3b: {  	_ = 	snop  }
0x3c: {  	p2 =	seq.s32 s10, $0x1;
	s10 =	sld [smem:$0x3FBA]  }
0x3d: {  	_ =	shalt  }
0x3e: {  	_ =	shalt  }
0x3f: {  	_ =	shalt  }
0x40: {  	_ =	shalt  }
0x41: {  	_ =	shalt  }
0x42: {  	_ =	shalt  }
0x43: {  	_ =	shalt  }
0x44: {  	_ =	shalt  }
0x45: {  	_ =	shalt  }
0x46: {  	_ =	shalt  }
0x47: {  	_ =	shalt  }
0x48: {  	_ =	shalt  }
0x49: {  	_ =	shalt  }
0x4a: {  	_ =	shalt  }
0x4b: {  	_ =	shalt  }
0x4c: {  	_ =	shalt  }
0x4d: {  	_ =	shalt  }
0x4e: {  	_ =	shalt  }
0x4f: {  	_ =	shalt  }
0x50: {  	_ =	shalt  }
0x51: {  	_ =	shalt  }
0x52: {  	_ =	shalt  }
0x53: {  	_ =	shalt  }
0x54: {  	_ =	shalt  }
0x55: {  	_ =	shalt  }
0x56: {  	_ =	shalt  }
0x57: {  	_ =	shalt  }
0x58: {  	_ =	shalt  }
0x59: {  	_ =	shalt  }
0x5a: {  	_ =	shalt  }
0x5b: {  	_ =	shalt  }
0x5c: {  	_ =	shalt  }
0x5d: {  	_ =	shalt  }
0x5e: {  	_ =	shalt  }
0x5f: {  	_ =	shalt  }
0x60: {  	_ =	shalt  }
0x61: {  	_ =	shalt  }
0x62: {  	_ =	shalt  }
0x63: {  	_ =	shalt  }
0x64: {  	_ =	shalt  }
0x65: {  	_ =	shalt  }
0x66: {  	_ =	shalt  }
0x67: {  	_ =	shalt  }
0x68: {  	_ =	shalt  }
0x69: {  	_ =	shalt  }
0x6a: {  	_ =	shalt  }
0x6b: {  	_ =	shalt  }
0x6c: {  	_ =	shalt  }
0x6d: {  	_ =	shalt  }
0x6e: {  	_ =	shalt  }
0x6f: {  	_ =	shalt  }
0x70: {  	_ =	shalt  }
0x71: {  	_ =	shalt  }
0x72: {  	_ =	shalt  }
0x73: {  	_ =	shalt  }
0x74: {  	_ =	shalt  }
0x75: {  	_ =	shalt  }
0x76: {  	_ =	shalt  }
0x77: {  	_ =	shalt  }
0x78: {  	_ =	shalt  }
0x79: {  	_ =	shalt  }
0x7a: {  	_ =	shalt  }
0x7b: {  	_ =	shalt  }
0x7c: {  	_ =	shalt  }
0x7d: {  	_ =	shalt  }
0x7e: {  	_ =	shalt  }
0x7f: {  	_ =	shalt  }
0x80: {  	_ =	shalt  }
0x81: {  	_ =	shalt  }
0x82: {  	_ =	shalt  }
0x83: {  	_ =	shalt  }
0x84: {  	_ =	shalt  }
0x85: {  	_ =	shalt  }
0x86: {  	_ =	shalt  }
0x87: {  	_ =	shalt  }
.Lfunc_end0:
.L_simem_size_0:
called_computation_lowered:
.L_overlay_start_0:
0x88: {  	s2 =	sld [smem:$0x3FD9]  }
0x89: {  	s3 =	sld [smem:$0x3FFE];
	_ =	sdelay $0x1  }
0x8a: {  	s1 =	srdreg.scid  }
0x8b: {  	s0 =	sand.u32 $0x1, s1  }
0x8c: {  	s14 =	sshll.u32 s0, $0xA;
	s2 =	sadd.s32 s3, s2  }
0x8d: {  	s2 =	sadd.s32 s2, s14  }
0x8e: {  	[smem:$0x3FC6] =	sst s2  }
0x8f: {  	_ = 	snop  }
0x90: {  	s2 =	sld [smem:$0x3FD0];
	_ =	sdelay $0x2  }
0x91: {  	s15 =	simm.s32 $0xA;
	s4 =	simm.s32 $0x10  }
0x92: {  	[smem:s4], [sflag:s15] =	dma.local [hbm:s2], $0x1  }
0x93: {  	_ =	swait.eq [sflag:s15], $0x1  }
0x94: {  	[sflag:s15] =	ssyncset.done $0x0  }
0x95: {  	[sflag:s15] =	ssyncadd.s32 $0xFFFFFFFF  }
0x96: {  	s16 =	sld [smem:$0x10];
	(tm) =	ssettm $0x1  }
0x97: {  	s17 =	sld [smem:$0x3FFB];
	_ =	sdelay $0x3  }
0x98: {  	_ =	strace s17  }
0x99: {  	s3 =	sld [smem:$0x3FFC];
	_ =	sdelay $0x3  }
0x9a: {  	_ =	strace s3  }
0x9b: {  	s3 =	sld [smem:$0x3FFD];
	_ =	sdelay $0x3  }
0x9c: {  	_ =	strace s3  }
0x9d: {  	_ =	strace $0x8FFFFFFF  }
0x9e: {  	s18 =	sld [smem:$0x3FDB];
	_ =	sdelay $0x1  }
0x9f: {  	s19 =	simm.s32 $_scs_section_size  }
0xa0: {  	s5 =	simm.s32 $_size__tile_overlayer_lowered;
	s6 =	simm.s32 $_tile_overlayer_lowered  }
0xa1: {  	s22 =	simm.s32 $0x1BFF;
	s21 =	sshll.u32 s6, $0x1;
	s3 =	sadd.s32 s19, s18  }
0xa2: {  	s7 =	simm.s32 $0x0;
	s20 =	sshll.u32 s5, $0x1;
	s5 =	sadd.s32 s21, s3  }
0xa3: {  	[timem:s7], [sflag:s22] =	dma.local [hbm:s5], s20  }
0xa4: {  	_ =	swait.ge [sflag:s22], s20  }
0xa5: {  	s4 =	ssub.s32 $0x0, s20;
	[sflag:s22] =	ssyncset.done $0x0  }
0xa6: {  	[sflag:s22] =	ssyncadd.s32 s4;
	_ =	sdelay $0x1  }
0xa7: {  	s23 =	simm.s32 $0x1B8B  }
0xa8: {  	_ =	swait.ge [sflag:s23], $0x1  }
0xa9: {  	[sflag:s23] =	ssyncset.done $0x0  }
0xaa: {  	s25 =	simm.s32 $0x1B8E;
	s24 =	sld [smem:$0x3FFE];
	[sflag:s23] =	ssyncadd.s32 $0xFFFFFFFF  }
0xab: {  	s26 =	simm.s32 $execute0_lowered;
	[smem:$0x3FD2] =	sst s25  }
0xac: {  	s5 =	sshll.u32 s26, $0x1;
	_ =	strace $0x80000046;
	[dreg:$0x1] =	wrdreg $0xFFFFFFFF  }
0xad: {  	s28 =	simm.s32 $_size_execute0_lowered;
	s3 =	sadd.s32 s3, s5;
	[dreg:$0x0] =	wrdreg $0x0  }
0xae: {  	s5 =	sshll.u32 s28, $0x1;
	[dreg:$0x2] =	wrdreg s3  }
0xaf: {  	[dreg:$0x3] =	wrdreg s5  }
0xb0: {  	[dreg:$0x4] =	wrdreg $0xC0  }
0xb1: {  	_ =	task [dreg:s7], $0x5FFFF  }
0xb2: {  	[dreg:$0x1] =	wrdreg $0xFFFFFFFF  }
0xb3: {  	[dreg:$0x0] =	wrdreg $0x60  }
0xb4: {  	[dreg:$0x2] =	wrdreg s16  }
0xb5: {  	[dreg:$0x3] =	wrdreg s24  }
0xb6: {  	[dreg:$0x4] =	wrdreg $0x9  }
0xb7: {  	_ =	task.clear_ibuf [dreg:s7], $0x5FFFF;
	_ =	strace $0x90000046  }
0xb8: {  	s29 =	simm.s32 $0x9;
	_ =	strace $0x80000048  }
0xb9: {  	_ =	swait.ge [sflag:s29], $0x1  }
0xba: {  	[sflag:s29] =	ssyncadd.s32 $0xFFFFFFFF  }
0xbb: {  	_ =	strace $0x90000048  }
0xbc: {  	_ =	sfence  }
0xbd: {  	s30 =	sld [smem:$0x0];
	_ =	sdelay $0x2  }
0xbe: {  	s31 =	sshll.u32 s1, $0xD;
	s1 =	sshrl.u32 s1, $0x2  }
0xbf: {  	s3 =	sand.u32 $0x4000, s31;
	s1 =	sadd.s32 s1, s30  }
0xc0: {  	s0 =	sor.u32 s3, s0;
	s1 =	sshll.u32 s1, $0x11  }
0xc1: {  	s0 =	sor.u32 s1, s0  }
0xc2: {  	s0 =	sadd.s32 $0x8F2B, s0  }
0xc3: {  	[sflag:s0] =	ssyncadd.remote.s32 $0x1  }
0xc4: {  	_ =	sfence.sel $0xFFFF  }
0xc5: {  	[dreg:$0x0] =	wrdreg $0xFFFFFFFF;
	(pc) =	sbr.abs _section_cstart, $3  }
0xc6: {  	[dreg:$0x1] =	wrdreg $0xFFFFFFFF  }
0xc7: {  	_ =	task.clear_ibuf [dreg:s7], $0x2FFFF;
	_ =	strace $0x9FFFFFFF  }
0xc8: {  	(tm) =	ssettm $0x7FFFFFFF  }
0xc9: {  	_ =	shalt  }
tec
execute0_lowered:
.L_overlay_start_1:
0x0: {  	(tag) =	ssettag $0x1  }
0x1: {  	s1 =	srdreg.scid;
	s0 =	stileid.u32  }
0x2: {  	s28 =	sand.u32 $0x1, s1;
	s31 =	sshll.u32 s0, $0x1  }
0x3: {  	s2 =	rddreg [dreg:$0x0];
	s19 =	sor.u32 s28, s31  }
0x4: {  	s18 =	rddreg [dreg:$0x1];
	s3 =	simm.s32 $0x0;
	s4 =	smul.u32 $0x48, s19  }
0x5: {  	s5 =	simm.s32 $0x3;
	[smem:$0x7FF] =	sst s3  }
0x6: {  	s1 =	rddreg [dreg:$0x2];
	_ =	strace $0x80000047;
	s4 =	sadd.s32 s18, s4  }
0x7: {  	[tilespmem:s3], [sflag:$0x3] =	stream.linear.gather [hbm4b:s4+s3], $0x240, $0x38;
	[tilespmem:$0x9240] =	vst v63  }
0x8: {  	_ =	swait.ge [sflag:s5], $0x240  }
0x9: {  	[sflag:s5] =	ssyncset.done $0x0  }
0xa: {  	s6 =	simm.s32 $0x60;
	s7 =	simm.s32 $0x240;
	[sflag:s5] =	ssyncadd.s32 $0xFFFFFDC0  }
0xb: {  	[tilespmem:s7], [sflag:$0x1] =	stream.indirect.gather [hbm4b:s2+s6], $0x40, s3, s6, $0xb8;
	[tilespmem:$0x9240] =	vst v63  }
0xc: {  	s8 =	simm.s32 $0x1A40  }
0xd: {  	[tilespmem:s8], [sflag:$0x1] =	stream.indirect.gather [hbm4b:s2+s6], $0x40, s6, s6, $0xb8;
	[tilespmem:$0x9240] =	vst v63  }
0xe: {  	s9 =	simm.s32 $0xC0;
	s10 =	simm.s32 $0x3240  }
0xf: {  	[tilespmem:s10], [sflag:$0x1] =	stream.indirect.gather [hbm4b:s2+s6], $0x40, s9, s6, $0xb8;
	[tilespmem:$0x9240] =	vst v63  }
0x10: {  	s11 =	simm.s32 $0x120;
	s12 =	simm.s32 $0x4A40  }
0x11: {  	[tilespmem:s12], [sflag:$0x1] =	stream.indirect.gather [hbm4b:s2+s6], $0x40, s11, s6, $0xb8;
	[tilespmem:$0x9240] =	vst v63  }
0x12: {  	s13 =	simm.s32 $0x180;
	s14 =	simm.s32 $0x6240  }
0x13: {  	[tilespmem:s14], [sflag:$0x1] =	stream.indirect.gather [hbm4b:s2+s6], $0x40, s13, s6, $0xb8;
	[tilespmem:$0x9240] =	vst v63  }
0x14: {  	s15 =	simm.s32 $0x1E0;
	s16 =	simm.s32 $0x7A40;
	s17 =	simm.s32 $0x1  }
0x15: {  	[tilespmem:s16], [sflag:$0x1] =	stream.indirect.gather [hbm4b:s2+s6], $0x40, s15, s6, $0xb8;
	[tilespmem:$0x9240] =	vst v63  }
0x16: {  	s21 =	sadd.s32 $0xA00, s18;
	s20 =	smul.u32 $0x2400, s19;
	_ =	swait.ge [sflag:s17], $0x1800  }
0x17: {  	s22 =	smul.u32 $0x12000, s19;
	s19 =	simm.s32 $0x40;
	[sflag:s17] =	ssyncset.done $0x0  }
0x18: {  	s18 =	sadd.s32 s21, s20;
	s20 =	simm.s32 $0x80;
	[sflag:s17] =	ssyncadd.s32 $0xFFFFE800  }
0x19: {  	[hbm4b:s18+s19] =	stream.strided.scatter [tilespmem:s7], [sflag:$0x2], $0x1800, s20, s19, $0x38;
	[tilespmem:$0x9240] =	vst v63  }
0x1a: {  	s22 =	sshrl.u32 s22, $0x3;
	_ =	swait.ge [sflag:s17], $0x1800  }
0x1b: {  	s25 =	sadd.s32 s21, s22;
	[sflag:s17] =	ssyncset.done $0x0  }
0x1c: {  	s21 =	sadd.s32 $0x600, s25;
	[sflag:s17] =	ssyncadd.s32 $0xFFFFE800  }
0x1d: {  	[hbm4b:s21+s19] =	stream.strided.scatter [tilespmem:s8], [sflag:$0x2], $0x1800, s20, s19, $0x38;
	[tilespmem:$0x9240] =	vst v63  }
0x1e: {  	_ =	swait.ge [sflag:s17], $0x1800  }
0x1f: {  	[sflag:s17] =	ssyncset.done $0x0  }
0x20: {  	s22 =	sadd.s32 $0xC00, s25;
	[sflag:s17] =	ssyncadd.s32 $0xFFFFE800  }
0x21: {  	[hbm4b:s22+s19] =	stream.strided.scatter [tilespmem:s10], [sflag:$0x2], $0x1800, s20, s19, $0x38;
	[tilespmem:$0x9240] =	vst v63  }
0x22: {  	_ =	swait.ge [sflag:s17], $0x1800  }
0x23: {  	[sflag:s17] =	ssyncset.done $0x0  }
0x24: {  	s23 =	sadd.s32 $0x1200, s25;
	[sflag:s17] =	ssyncadd.s32 $0xFFFFE800  }
0x25: {  	[hbm4b:s23+s19] =	stream.strided.scatter [tilespmem:s12], [sflag:$0x2], $0x1800, s20, s19, $0x38;
	[tilespmem:$0x9240] =	vst v63  }
0x26: {  	_ =	swait.ge [sflag:s17], $0x1800  }
0x27: {  	[sflag:s17] =	ssyncset.done $0x0  }
0x28: {  	s24 =	sadd.s32 $0x1800, s25;
	[sflag:s17] =	ssyncadd.s32 $0xFFFFE800  }
0x29: {  	[hbm4b:s24+s19] =	stream.strided.scatter [tilespmem:s14], [sflag:$0x2], $0x1800, s20, s19, $0x38;
	[tilespmem:$0x9240] =	vst v63  }
0x2a: {  	_ =	swait.ge [sflag:s17], $0x1800  }
0x2b: {  	[sflag:s17] =	ssyncset.done $0x0  }
0x2c: {  	s26 =	simm.s32 $0x2;
	s25 =	sadd.s32 $0x1E00, s25;
	[sflag:s17] =	ssyncadd.s32 $0xFFFFE800  }
0x2d: {  	[hbm4b:s25+s19] =	stream.strided.scatter [tilespmem:s16], [sflag:$0x2], $0x1800, s20, s19, $0x38;
	[tilespmem:$0x9240] =	vst v63  }
0x2e: {  	_ =	swait.ge [sflag:s26], $0x1800  }
0x2f: {  	[sflag:s26] =	ssyncset.done $0x0  }
0x30: {  	[sflag:s26] =	ssyncadd.s32 $0xFFFFE800  }
0x31: {  	_ =	swait.ge [sflag:s26], $0x1800  }
0x32: {  	[sflag:s26] =	ssyncset.done $0x0  }
0x33: {  	[sflag:s26] =	ssyncadd.s32 $0xFFFFE800  }
0x34: {  	_ =	swait.ge [sflag:s26], $0x1800  }
0x35: {  	s28 =	ssub.s32 $0x2, s28;
	[sflag:s26] =	ssyncset.done $0x0  }
0x36: {  	s29 =	sshrl.u32 s28, $0x1;
	[sflag:s26] =	ssyncadd.s32 $0xFFFFE800  }
0x37: {  	s28 =	ssub.s32 s28, s29;
	_ =	swait.ge [sflag:s26], $0x1800  }
0x38: {  	s28 =	smax.u32 s28, $0x1;
	[sflag:s26] =	ssyncset.done $0x0  }
0x39: {  	p0 =	sne.s32 s28, $0x1;
	[sflag:s26] =	ssyncadd.s32 $0xFFFFE800  }
.Ltmp0:
0x3a: {  	_ =	swait.ge [sflag:s26], $0x1800;
	(pc) =	sbr.rel @!p0 .LBB2_2-.Ltmp0, $4  }
0x3b: {  	[sflag:s26] =	ssyncset.done $0x0  }
0x3c: {  	[sflag:s26] =	ssyncadd.s32 $0xFFFFE800  }
0x3d: {  	_ =	swait.ge [sflag:s26], $0x1800  }
0x3e: {  	s28 =	sadd.s32 $0xFFFFFFFF, s28;
	[sflag:s26] =	ssyncset.done $0x0  }
.LBB2_1:
0x3f: {  	p0 =	sne.s32 s28, $0x1;
	s28 =	sadd.s32 $0xFFFFFFFF, s28;
	[sflag:s26] =	ssyncadd.s32 $0xFFFFE800  }
0x40: {  	[tilespmem:s3], [sflag:$0x3] =	stream.linear.gather [hbm4b:s4+s3], $0x240, $0x38;
	[tilespmem:$0x9240] =	vst v63  }
0x41: {  	_ =	swait.ge [sflag:s5], $0x240  }
0x42: {  	[sflag:s5] =	ssyncset.done $0x0  }
0x43: {  	[sflag:s5] =	ssyncadd.s32 $0xFFFFFDC0  }
0x44: {  	[tilespmem:s7], [sflag:$0x1] =	stream.indirect.gather [hbm4b:s2+s6], $0x40, s3, s6, $0xb8;
	[tilespmem:$0x9240] =	vst v63  }
0x45: {  	_ = 	snop  }
0x46: {  	[tilespmem:s8], [sflag:$0x1] =	stream.indirect.gather [hbm4b:s2+s6], $0x40, s6, s6, $0xb8;
	[tilespmem:$0x9240] =	vst v63  }
0x47: {  	_ = 	snop  }
0x48: {  	[tilespmem:s10], [sflag:$0x1] =	stream.indirect.gather [hbm4b:s2+s6], $0x40, s9, s6, $0xb8;
	[tilespmem:$0x9240] =	vst v63  }
0x49: {  	_ = 	snop  }
0x4a: {  	[tilespmem:s12], [sflag:$0x1] =	stream.indirect.gather [hbm4b:s2+s6], $0x40, s11, s6, $0xb8;
	[tilespmem:$0x9240] =	vst v63  }
0x4b: {  	_ = 	snop  }
0x4c: {  	[tilespmem:s14], [sflag:$0x1] =	stream.indirect.gather [hbm4b:s2+s6], $0x40, s13, s6, $0xb8;
	[tilespmem:$0x9240] =	vst v63  }
0x4d: {  	_ = 	snop  }
0x4e: {  	[tilespmem:s16], [sflag:$0x1] =	stream.indirect.gather [hbm4b:s2+s6], $0x40, s15, s6, $0xb8;
	[tilespmem:$0x9240] =	vst v63  }
0x4f: {  	_ =	swait.ge [sflag:s17], $0x1800  }
0x50: {  	[sflag:s17] =	ssyncset.done $0x0  }
0x51: {  	[sflag:s17] =	ssyncadd.s32 $0xFFFFE800  }
0x52: {  	[hbm4b:s18+s19] =	stream.strided.scatter [tilespmem:s7], [sflag:$0x2], $0x1800, s20, s19, $0x38;
	[tilespmem:$0x9240] =	vst v63  }
0x53: {  	_ =	swait.ge [sflag:s17], $0x1800  }
0x54: {  	[sflag:s17] =	ssyncset.done $0x0  }
0x55: {  	[sflag:s17] =	ssyncadd.s32 $0xFFFFE800  }
0x56: {  	[hbm4b:s21+s19] =	stream.strided.scatter [tilespmem:s8], [sflag:$0x2], $0x1800, s20, s19, $0x38;
	[tilespmem:$0x9240] =	vst v63  }
0x57: {  	_ =	swait.ge [sflag:s17], $0x1800  }
0x58: {  	[sflag:s17] =	ssyncset.done $0x0  }
0x59: {  	[sflag:s17] =	ssyncadd.s32 $0xFFFFE800  }
0x5a: {  	[hbm4b:s22+s19] =	stream.strided.scatter [tilespmem:s10], [sflag:$0x2], $0x1800, s20, s19, $0x38;
	[tilespmem:$0x9240] =	vst v63  }
0x5b: {  	_ =	swait.ge [sflag:s17], $0x1800  }
0x5c: {  	[sflag:s17] =	ssyncset.done $0x0  }
0x5d: {  	[sflag:s17] =	ssyncadd.s32 $0xFFFFE800  }
0x5e: {  	[hbm4b:s23+s19] =	stream.strided.scatter [tilespmem:s12], [sflag:$0x2], $0x1800, s20, s19, $0x38;
	[tilespmem:$0x9240] =	vst v63  }
0x5f: {  	_ =	swait.ge [sflag:s17], $0x1800  }
0x60: {  	[sflag:s17] =	ssyncset.done $0x0  }
0x61: {  	[sflag:s17] =	ssyncadd.s32 $0xFFFFE800  }
0x62: {  	[hbm4b:s24+s19] =	stream.strided.scatter [tilespmem:s14], [sflag:$0x2], $0x1800, s20, s19, $0x38;
	[tilespmem:$0x9240] =	vst v63  }
0x63: {  	_ =	swait.ge [sflag:s17], $0x1800  }
0x64: {  	[sflag:s17] =	ssyncset.done $0x0  }
0x65: {  	[sflag:s17] =	ssyncadd.s32 $0xFFFFE800  }
0x66: {  	[hbm4b:s25+s19] =	stream.strided.scatter [tilespmem:s16], [sflag:$0x2], $0x1800, s20, s19, $0x38;
	[tilespmem:$0x9240] =	vst v63  }
0x67: {  	_ =	swait.ge [sflag:s26], $0x1800  }
0x68: {  	[sflag:s26] =	ssyncset.done $0x0  }
0x69: {  	[sflag:s26] =	ssyncadd.s32 $0xFFFFE800  }
0x6a: {  	_ =	swait.ge [sflag:s26], $0x1800  }
0x6b: {  	[sflag:s26] =	ssyncset.done $0x0  }
0x6c: {  	[sflag:s26] =	ssyncadd.s32 $0xFFFFE800  }
0x6d: {  	_ =	swait.ge [sflag:s26], $0x1800  }
0x6e: {  	[sflag:s26] =	ssyncset.done $0x0  }
0x6f: {  	[sflag:s26] =	ssyncadd.s32 $0xFFFFE800  }
0x70: {  	_ =	swait.ge [sflag:s26], $0x1800  }
0x71: {  	[sflag:s26] =	ssyncset.done $0x0  }
0x72: {  	[sflag:s26] =	ssyncadd.s32 $0xFFFFE800  }
.Ltmp1:
0x73: {  	_ =	swait.ge [sflag:s26], $0x1800;
	(pc) =	sbr.rel @p0 .LBB2_1-.Ltmp1, $4  }
0x74: {  	[sflag:s26] =	ssyncset.done $0x0  }
0x75: {  	[sflag:s26] =	ssyncadd.s32 $0xFFFFE800  }
0x76: {  	_ =	swait.ge [sflag:s26], $0x1800  }
0x77: {  	[sflag:s26] =	ssyncset.done $0x0  }
.LBB2_2:
0x78: {  	[sflag:s26] =	ssyncadd.s32 $0xFFFFE800  }
0x79: {  	_ =	sfence.sel $0x180000  }
0x7a: {  	[bflag:$0x0] =	sbarrier.arrive $0xFFFF  }
0x7b: {  	p0 =	sne.s32 s0, $0x0;
	_ =	strace $0x90000047  }
0x7c: {  	s0 =	sadd.s32 @!p0 $0x100000, s1;
	[bflag:$0x2] =	sbarrier.arrive $0xFFFF  }
0x7d: {  	[sflag:s0] =	ssyncadd.tile.s32 @!p0 $0x1;
	_ =	shalt  }
.Lfunc_end2:
_tile_overlayer_lowered:
.L_overlay_start_2:
0x7e: {  	(tag) =	ssettag $0x2  }
0x7f: {  	s0 =	rddreg [dreg:$0x0];
	s2 =	stileid.u32  }
0x80: {  	s1 =	rddreg [dreg:$0x1];
	p0 =	sne.s32 s2, $0x0  }
0x81: {  	s3 =	rddreg [dreg:$0x2];
	[bflag:$0x3] =	sbarrier.arrive $0xFFFF;
	s2 =	simm.s32 @!p0 $0x1C03  }
0x82: {  	[timem:s3], [sflag:s2] =	dma.local @!p0 [hbm:s0], s1  }
0x83: {  	s0 =	simm.s32 @!p0 $0x3  }
0x84: {  	_ =	swait.ge @!p0 [sflag:s0], s1  }
0x85: {  	s1 =	ssub.s32 @!p0 $0x0, s1;
	[sflag:s0] =	ssyncset.done @!p0 $0x0  }
0x86: {  	[sflag:s0] =	ssyncadd.s32 @!p0 s1  }
0x87: {  	[bflag:$0x3] =	sbarrier.arrive $0xFFFF  }
0x88: {  	_ =	shalt  }

</sc_bundles>
